<compile_context>
chip_gen: v7x
topology: tpu7x:2x2x1
jax: 0.10.2.dev20260603
libtpu: 0.0.44.dev20260713+nightly
codegen_flags: <defaults>
</compile_context>

<pallas_src>
import functools

import jax
import jax.numpy as jnp
from jax import lax
from jax.experimental import pallas as pl
from jax.experimental.pallas import tpu as pltpu
from jax.experimental.pallas import tpu_sc as plsc

NC = 2
NS = 16
NW = NC * NS
WIN = 128
CHUNK = 40
W0 = 128
W1 = 32
ECH = 32

_MESH = plsc.VectorSubcoreMesh(
    core_axis_name="c", subcore_axis_name="s", num_cores=NC, num_subcores=NS
)


def _deg_kernel_make(np_, wpw):
    stripe = np_ // NS

    @functools.partial(
        pl.kernel,
        out_type=[jax.ShapeDtypeStruct((np_, 16), jnp.float32)
                  for _ in range(NC)],
        mesh=_MESH,
        scratch_types=[
            pltpu.VMEM((wpw, WIN), jnp.int32),
            pltpu.VMEM((WIN, 16), jnp.float32),
            pltpu.VMEM((WIN, 16), jnp.float32),
            pltpu.VMEM_SHARED((np_, 16), jnp.float32),
        ],
    )
    def deg_kernel(dst_hbm, *out_and_scratch):
        outs = out_and_scratch[:NC]
        dstbuf, ones, zeros, hist = out_and_scratch[NC:]
        c = lax.axis_index("c")
        s = lax.axis_index("s")

        @pl.loop(0, WIN)
        def _(j):
            ones[j, :] = jnp.full((16,), 1.0, jnp.float32)
            zeros[j, :] = jnp.zeros((16,), jnp.float32)

        @pl.loop(0, stripe // WIN)
        def _(k):
            pltpu.sync_copy(zeros, hist.at[pl.ds(s * stripe + k * WIN, WIN)])

        base = (c * NS + s) * wpw
        pltpu.sync_copy(dst_hbm.at[pl.ds(base, wpw)], dstbuf)
        plsc.subcore_barrier()

        @pl.loop(0, wpw)
        def _(j):
            pltpu.sync_copy(ones, hist.at[dstbuf.at[j]], add=True)

        plsc.subcore_barrier()
        for ci in range(NC):
            @pl.when(c == ci)
            def _():
                pltpu.sync_copy(hist.at[pl.ds(s * stripe, stripe)],
                                outs[ci].at[pl.ds(s * stripe, stripe)])

    return deg_kernel


def _edge_kernel_make(np_, d):
    stripe = np_ // NS
    assert W0 % ECH == 0 and W1 % ECH == 0 and ECH % 2 == 0

    @functools.partial(
        pl.kernel,
        out_type=[jax.ShapeDtypeStruct((np_, d), jnp.float32)
                  for _ in range(NC)],
        mesh=_MESH,
        scratch_types=[
            pltpu.VMEM((ECH, WIN), jnp.int32),
            pltpu.VMEM((ECH, WIN), jnp.int32),
            pltpu.VMEM((WIN, d), jnp.float32),
            pltpu.VMEM((WIN, d), jnp.float32),
            pltpu.VMEM_SHARED((np_, d), jnp.float32),
            pltpu.SemaphoreType.DMA,
            pltpu.SemaphoreType.DMA,
        ],
    )
    def edge_kernel(hp_hbm, src_hbm, dst_hbm, *out_and_scratch):
        outs = out_and_scratch[:NC]
        srcbuf, dstbuf, rbuf0, rbuf1, acc, sem0, sem1 = out_and_scratch[NC:]
        c = lax.axis_index("c")
        s = lax.axis_index("s")

        pltpu.sync_copy(
            hp_hbm.at[pl.ds(s * stripe, stripe)],
            acc.at[pl.ds(s * stripe, stripe)],
        )
        plsc.subcore_barrier()

        def run_chunk(base):
            pltpu.sync_copy(src_hbm.at[pl.ds(base, ECH)], srcbuf)
            pltpu.sync_copy(dst_hbm.at[pl.ds(base, ECH)], dstbuf)
            pltpu.async_copy(hp_hbm.at[srcbuf.at[0]], rbuf0, sem0)
            pltpu.async_copy(hp_hbm.at[srcbuf.at[1]], rbuf1, sem1)

            @pl.loop(0, ECH, step=2)
            def _(j):
                pltpu.make_async_copy(
                    hp_hbm.at[srcbuf.at[j]], rbuf0, sem0).wait()
                pltpu.sync_copy(rbuf0, acc.at[dstbuf.at[j]], add=True)

                @pl.when(j + 2 < ECH)
                def _():
                    pltpu.async_copy(hp_hbm.at[srcbuf.at[j + 2]], rbuf0, sem0)

                pltpu.make_async_copy(
                    hp_hbm.at[srcbuf.at[j + 1]], rbuf1, sem1).wait()
                pltpu.sync_copy(rbuf1, acc.at[dstbuf.at[j + 1]], add=True)

                @pl.when(j + 3 < ECH)
                def _():
                    pltpu.async_copy(hp_hbm.at[srcbuf.at[j + 3]], rbuf1, sem1)

        @pl.when(c == 0)
        def _():
            for hix in range(W0 // ECH):
                run_chunk(s * W0 + hix * ECH)

        @pl.when(c == 1)
        def _():
            for hix in range(W1 // ECH):
                run_chunk(NS * W0 + s * W1 + hix * ECH)

        plsc.subcore_barrier()
        for ci in range(NC):
            @pl.when(c == ci)
            def _():
                pltpu.sync_copy(acc.at[pl.ds(s * stripe, stripe)],
                                outs[ci].at[pl.ds(s * stripe, stripe)])

    return edge_kernel


def _matmul(x, w):
    m, k = x.shape
    d = w.shape[1]
    blk = 2048

    def body(x_ref, w_ref, o_ref):
        o_ref[...] = jnp.dot(x_ref[...], w_ref[...],
                             preferred_element_type=jnp.float32)

    return pl.pallas_call(
        body,
        grid=(m // blk,),
        in_specs=[
            pl.BlockSpec((blk, k), lambda i: (i, 0)),
            pl.BlockSpec((k, d), lambda i: (0, 0)),
        ],
        out_specs=pl.BlockSpec((blk, d), lambda i: (i, 0)),
        out_shape=jax.ShapeDtypeStruct((m, d), jnp.float32),
    )(x, w)


def _scale(hists, h):
    np_, d = h.shape
    blk = 2048

    def body(*refs):
        hist_refs = refs[:NC]
        h_ref, hp_ref, dis_ref = refs[NC:]
        deg = hist_refs[0][..., 0:1] + 1.0
        for r in hist_refs[1:]:
            deg = deg + r[..., 0:1]
        dis = lax.rsqrt(deg)
        dis_ref[...] = dis
        hp_ref[...] = h_ref[...] * dis

    return pl.pallas_call(
        body,
        grid=(np_ // blk,),
        in_specs=[pl.BlockSpec((blk, 16), lambda i: (i, 0))
                  for _ in range(NC)] + [
            pl.BlockSpec((blk, d), lambda i: (i, 0)),
        ],
        out_specs=[
            pl.BlockSpec((blk, d), lambda i: (i, 0)),
            pl.BlockSpec((blk, 1), lambda i: (i, 0)),
        ],
        out_shape=[
            jax.ShapeDtypeStruct((np_, d), jnp.float32),
            jax.ShapeDtypeStruct((np_, 1), jnp.float32),
        ],
    )(*hists, h)


def _finalize(n, parts, hp, dis, b):
    d = hp.shape[1]
    blk = 2000

    def body(*refs):
        p_refs = refs[:NC]
        hp_ref, dis_ref, b_ref, o_ref = refs[NC:]
        agg = p_refs[0][...]
        for r in p_refs[1:]:
            agg = agg + r[...]
        agg = agg - (NC - 1) * hp_ref[...]
        o_ref[...] = jnp.maximum(dis_ref[...] * agg + b_ref[...], 0.0)

    return pl.pallas_call(
        body,
        grid=(n // blk,),
        in_specs=[pl.BlockSpec((blk, d), lambda i: (i, 0))
                  for _ in range(NC)] + [
            pl.BlockSpec((blk, d), lambda i: (i, 0)),
            pl.BlockSpec((blk, 1), lambda i: (i, 0)),
            pl.BlockSpec((1, d), lambda i: (0, 0)),
        ],
        out_specs=pl.BlockSpec((blk, d), lambda i: (i, 0)),
        out_shape=jax.ShapeDtypeStruct((n, d), jnp.float32),
    )(*parts, hp, dis, b)


def kernel(x, edge_index, W, b):
    n, _ = x.shape
    d = W.shape[1]
    e = edge_index.shape[1]

    ep = NS * (W0 + W1) * WIN
    assert e <= ep
    wpw = ep // (NW * WIN)
    np_ = -(-(n + 1) // (NS * WIN)) * (NS * WIN)

    src = edge_index[0]
    dst = edge_index[1]
    src_p = jnp.concatenate(
        [src, jnp.zeros((ep - e,), jnp.int32)]).reshape(NW * wpw, WIN)
    dst_p = jnp.concatenate(
        [dst, jnp.full((ep - e,), n, jnp.int32)]).reshape(NW * wpw, WIN)
    x_p = jnp.pad(x, ((0, np_ - n), (0, 0)))

    hists = _deg_kernel_make(np_, wpw)(dst_p)
    h = _matmul(x_p, W)
    hp, dis = _scale(hists, h)
    parts = _edge_kernel_make(np_, d)(hp, src_p, dst_p)
    return _finalize(n, parts, hp, dis, b.reshape(1, d))

# --- scband reference (transcript-rebuilt; emitter-appended) ---
"""Pipeline reference for scband-gcn1-layers-4329327034970 (READ-ONLY COPY).

The authoritative reference and input builder live on the scoring server;
editing this copy changes nothing except your own understanding.
"""

import jax, jax.numpy as jnp
import numpy as np

N = 10000
E = 320000
D_IN = 128
D_OUT = 128


def setup_inputs(seed: int = 0) -> dict:
    key = jax.random.key(seed)
    k1, k2, k3 = jax.random.split(key, 3)
    x = jax.random.normal(k1, (N, D_IN), dtype=jnp.float32)
    edge_index = jax.random.randint(k2, (2, E), 0, N, dtype=jnp.int32)
    # GCNConv learned params (glorot-style init for weight, zeros for bias)
    W = jax.random.normal(k3, (D_IN, D_OUT), dtype=jnp.float32) * (1.0 / np.sqrt(D_IN))
    b = jnp.zeros((D_OUT,), dtype=jnp.float32)
    return {"x": x, "edge_index": edge_index, "W": W, "b": b}


def reference(x, edge_index, W, b):
    # Faithful GCNConv (torch_geometric default): add self-loops, symmetric
    # normalization D^{-1/2}(A+I)D^{-1/2}, linear transform, scatter-add, bias.
    n = x.shape[0]
    src = edge_index[0]
    dst = edge_index[1]
    loop = jnp.arange(n, dtype=src.dtype)
    src = jnp.concatenate([src, loop])
    dst = jnp.concatenate([dst, loop])
    # degree (with self-loops) computed on destination nodes
    deg = jnp.zeros((n,), dtype=x.dtype).at[dst].add(1.0)
    deg_inv_sqrt = jnp.where(deg > 0, 1.0 / jnp.sqrt(deg), 0.0)
    norm = deg_inv_sqrt[src] * deg_inv_sqrt[dst]
    # transform then propagate
    h = x @ W
    msg = h[src] * norm[:, None]
    out = jax.ops.segment_sum(msg, dst, num_segments=n)
    out = out + b
    # forward of GCN1Layers applies relu after conv1
    return jax.nn.relu(out)

if __name__ == "__main__":
    import jax
    _d = setup_inputs()
    print(jax.jit(kernel)(*tuple(_d.values())))

</pallas_src>

<mosaic_0001>
#map = affine_map<(d0, d1) -> (0, 0)>
module attributes {stable_mosaic.version = 14 : i64} {
  func.func @deg_kernel(%arg0: i32, %arg1: i32, %arg2: memref<2560x128xi32, #tpu.memory_space<hbm>>, %arg3: memref<10240x16xf32, #tpu.memory_space<hbm>>, %arg4: memref<10240x16xf32, #tpu.memory_space<hbm>>, %arg5: memref<80x128xi32, #tpu.memory_space<vmem>>, %arg6: memref<128x16xf32, #tpu.memory_space<vmem>>, %arg7: memref<128x16xf32, #tpu.memory_space<vmem>>, %arg8: memref<10240x16xf32, #tpu.memory_space<vmem_shared>>) attributes {dimension_semantics = [#tpu.dimension_semantics<core_parallel>, #tpu.dimension_semantics<subcore_parallel>], iteration_bounds = array<i64: 2, 16>, scalar_prefetch = 0 : i64, scratch_operands = 4 : i64, tpu.core_type = #tpu.core_type<sc_vector_subcore>, window_params = [{transform_indices = #map}, {transform_indices = #map}, {transform_indices = #map}]} {
    %scan3A = arith.constant 0 : i32
    %scan3A_0 = arith.constant 128 : i32
    %scan3A_1 = arith.addi %scan3A, %scan3A_0 : i32
    %scan3A_2 = arith.constant 1 : i32
    scf.for %scan3A_25 = %scan3A to %scan3A_1 step %scan3A_2  : i32 {
      %mul3A_26 = arith.constant 1 : i32
      %mul3A_27 = arith.muli %scan3A_25, %mul3A_26 : i32
      %add3A_28 = arith.constant 0 : i32
      %add3A_29 = arith.addi %add3A_28, %mul3A_27 : i32
      %broadcast_in_dim3A = arith.constant 1.000000e+00 : f32
      %broadcast_in_dim3A_30 = vector.broadcast %broadcast_in_dim3A : f32 to vector<16xf32>
      %swap3A = arith.index_cast %add3A_29 : i32 to index
      %swap3A_31 = arith.constant 0 : index
      %swap3A_32 = tpu.vector_load %arg6[%swap3A, %swap3A_31] {strides = array<i32>} : memref<128x16xf32, #tpu.memory_space<vmem>>, vector<1x16xf32>,
      %swap3A_33 = vector.shape_cast %swap3A_32 : vector<1x16xf32> to vector<16xf32>
      %swap3A_34 = vector.shape_cast %broadcast_in_dim3A_30 : vector<16xf32> to vector<1x16xf32>
      tpu.vector_store %arg6[%swap3A, %swap3A_31], %swap3A_34 {strides = array<i32>} : memref<128x16xf32, #tpu.memory_space<vmem>>, vector<1x16xf32>,
      %broadcast_in_dim3A_35 = arith.constant 0.000000e+00 : f32
      %broadcast_in_dim3A_36 = vector.broadcast %broadcast_in_dim3A_35 : f32 to vector<16xf32>
      %swap3A_37 = arith.index_cast %add3A_29 : i32 to index
      %swap3A_38 = arith.constant 0 : index
      %swap3A_39 = tpu.vector_load %arg7[%swap3A_37, %swap3A_38] {strides = array<i32>} : memref<128x16xf32, #tpu.memory_space<vmem>>, vector<1x16xf32>,
      %swap3A_40 = vector.shape_cast %swap3A_39 : vector<1x16xf32> to vector<16xf32>
      %swap3A_41 = vector.shape_cast %broadcast_in_dim3A_36 : vector<16xf32> to vector<1x16xf32>
      tpu.vector_store %arg7[%swap3A_37, %swap3A_38], %swap3A_41 {strides = array<i32>} : memref<128x16xf32, #tpu.memory_space<vmem>>, vector<1x16xf32>,
    }
    %scan3A_3 = arith.constant 128 : i32
    %scan3A_4 = arith.constant 0 : i32
    %scan3A_5 = arith.constant 5 : i32
    %scan3A_6 = arith.addi %scan3A_4, %scan3A_5 : i32
    %scan3A_7 = arith.constant 1 : i32
    scf.for %scan3A_25 = %scan3A_4 to %scan3A_6 step %scan3A_7  : i32 {
      %mul3A_26 = arith.constant 1 : i32
      %mul3A_27 = arith.muli %scan3A_25, %mul3A_26 : i32
      %add3A_28 = arith.constant 0 : i32
      %add3A_29 = arith.addi %add3A_28, %mul3A_27 : i32
      %mul3A_30 = arith.constant 640 : i32
      %mul3A_31 = arith.muli %arg1, %mul3A_30 : i32
      %mul3A_32 = arith.constant 128 : i32
      %mul3A_33 = arith.muli %add3A_29, %mul3A_32 : i32
      %add3A_34 = arith.addi %mul3A_31, %mul3A_33 : i32
      "tpu.region"() ({
        %run_scoped3A = tpu.sem_alloc : memref<!tpu.dma_semaphore, #tpu.memory_space<semaphore_mem>>
        %dma_start3A = arith.constant 0 : i32
        %dma_start3A_35 = tpu.memref_slice %arg8[%add3A_34, %dma_start3A] : memref<10240x16xf32, #tpu.memory_space<vmem_shared>> -> memref<128x16xf32, #tpu.memory_space<vmem_shared>>
        %dma_start3A_36 = arith.constant 0 : i32
        %dma_start3A_37 = tpu.memref_slice %arg8[%add3A_34, %dma_start3A_36] : memref<10240x16xf32, #tpu.memory_space<vmem_shared>> -> memref<128x16xf32, #tpu.memory_space<vmem_shared>>
        tpu.enqueue_dma source(%arg7 : memref<128x16xf32, #tpu.memory_space<vmem>>) target(%dma_start3A_37 : memref<128x16xf32, #tpu.memory_space<vmem_shared>>) target_semaphore(%run_scoped3A : memref<!tpu.dma_semaphore, #tpu.memory_space<semaphore_mem>>)
        %dma_wait3A = arith.constant 0 : i32
        %dma_wait3A_38 = tpu.memref_slice %arg8[%add3A_34, %dma_wait3A] : memref<10240x16xf32, #tpu.memory_space<vmem_shared>> -> memref<128x16xf32, #tpu.memory_space<vmem_shared>>
        %dma_wait3A_39 = arith.constant 0 : i32
        %dma_wait3A_40 = tpu.memref_slice %arg8[%add3A_34, %dma_wait3A_39] : memref<10240x16xf32, #tpu.memory_space<vmem_shared>> -> memref<128x16xf32, #tpu.memory_space<vmem_shared>>
        tpu.wait_dma2 semaphore(%run_scoped3A : memref<!tpu.dma_semaphore, #tpu.memory_space<semaphore_mem>>) src(%arg7 : memref<128x16xf32, #tpu.memory_space<vmem>>) dst(%dma_wait3A_40 : memref<128x16xf32, #tpu.memory_space<vmem_shared>>)
        tpu.yield
      }) : () -> ()
    }
    %scan3A_8 = arith.constant 5 : i32
    %mul3A = arith.constant 16 : i32
    %mul3A_9 = arith.muli %arg0, %mul3A : i32
    %add3A = arith.addi %mul3A_9, %arg1 : i32
    %mul3A_10 = arith.constant 80 : i32
    %mul3A_11 = arith.muli %add3A, %mul3A_10 : i32
    "tpu.region"() ({
      %run_scoped3A = tpu.sem_alloc : memref<!tpu.dma_semaphore, #tpu.memory_space<semaphore_mem>>
      %dma_start3A = arith.constant 0 : i32
      %dma_start3A_25 = tpu.memref_slice %arg2[%mul3A_11, %dma_start3A] : memref<2560x128xi32, #tpu.memory_space<hbm>> -> memref<80x128xi32, #tpu.memory_space<hbm>>
      %dma_start3A_26 = arith.constant 0 : i32
      %dma_start3A_27 = tpu.memref_slice %arg2[%mul3A_11, %dma_start3A_26] : memref<2560x128xi32, #tpu.memory_space<hbm>> -> memref<80x128xi32, #tpu.memory_space<hbm>>
      tpu.enqueue_dma source(%dma_start3A_27 : memref<80x128xi32, #tpu.memory_space<hbm>>) target(%arg5 : memref<80x128xi32, #tpu.memory_space<vmem>>) target_semaphore(%run_scoped3A : memref<!tpu.dma_semaphore, #tpu.memory_space<semaphore_mem>>)
      %dma_wait3A = arith.constant 0 : i32
      %dma_wait3A_28 = tpu.memref_slice %arg2[%mul3A_11, %dma_wait3A] : memref<2560x128xi32, #tpu.memory_space<hbm>> -> memref<80x128xi32, #tpu.memory_space<hbm>>
      %dma_wait3A_29 = arith.constant 0 : i32
      %dma_wait3A_30 = tpu.memref_slice %arg2[%mul3A_11, %dma_wait3A_29] : memref<2560x128xi32, #tpu.memory_space<hbm>> -> memref<80x128xi32, #tpu.memory_space<hbm>>
      tpu.wait_dma2 semaphore(%run_scoped3A : memref<!tpu.dma_semaphore, #tpu.memory_space<semaphore_mem>>) src(%dma_wait3A_30 : memref<80x128xi32, #tpu.memory_space<hbm>>) dst(%arg5 : memref<80x128xi32, #tpu.memory_space<vmem>>)
      tpu.yield
    }) : () -> ()
    %barrier3A = arith.constant 0 : index
    tpu.barrier barrier_id(%barrier3A)
    %scan3A_12 = arith.constant 0 : i32
    %scan3A_13 = arith.constant 80 : i32
    %scan3A_14 = arith.addi %scan3A_12, %scan3A_13 : i32
    %scan3A_15 = arith.constant 1 : i32
    scf.for %scan3A_25 = %scan3A_12 to %scan3A_14 step %scan3A_15  : i32 {
      %mul3A_26 = arith.constant 1 : i32
      %mul3A_27 = arith.muli %scan3A_25, %mul3A_26 : i32
      %add3A_28 = arith.constant 0 : i32
      %add3A_29 = arith.addi %add3A_28, %mul3A_27 : i32
      "tpu.region"() ({
        %run_scoped3A = tpu.sem_alloc : memref<!tpu.dma_semaphore, #tpu.memory_space<semaphore_mem>>
        %dma_start3A = arith.constant 0 : i32
        %dma_start3A_30 = tpu.memref_slice %arg5[%add3A_29, %dma_start3A] : memref<80x128xi32, #tpu.memory_space<vmem>> -> memref<1x128xi32, #tpu.memory_space<vmem>>
        %dma_start3A_31 = tpu.memref_squeeze %dma_start3A_30 : memref<1x128xi32, #tpu.memory_space<vmem>> -> memref<128xi32, #tpu.memory_space<vmem>>
        %dma_start3A_32 = arith.constant 0 : i32
        %dma_start3A_33 = arith.constant 0 : i32
        %dma_start3A_34 = tpu.memref_slice %arg8[%dma_start3A_32, %dma_start3A_33] : memref<10240x16xf32, #tpu.memory_space<vmem_shared>> -> memref<10240x16xf32, #tpu.memory_space<vmem_shared>>
        tpu.enqueue_indirect_dma source(%arg6 : memref<128x16xf32, #tpu.memory_space<vmem>>) target(%dma_start3A_34 : memref<10240x16xf32, #tpu.memory_space<vmem_shared>>) offsets(%dma_start3A_31 : memref<128xi32, #tpu.memory_space<vmem>>) semaphore(%run_scoped3A : memref<!tpu.dma_semaphore, #tpu.memory_space<semaphore_mem>>) {add = true}
        %dma_wait3A = arith.constant 0 : i32
        %dma_wait3A_35 = tpu.memref_slice %arg5[%add3A_29, %dma_wait3A] : memref<80x128xi32, #tpu.memory_space<vmem>> -> memref<1x128xi32, #tpu.memory_space<vmem>>
        %dma_wait3A_36 = tpu.memref_squeeze %dma_wait3A_35 : memref<1x128xi32, #tpu.memory_space<vmem>> -> memref<128xi32, #tpu.memory_space<vmem>>
        %dma_wait3A_37 = arith.constant 0 : i32
        %dma_wait3A_38 = arith.constant 0 : i32
        %dma_wait3A_39 = tpu.memref_slice %arg8[%dma_wait3A_37, %dma_wait3A_38] : memref<10240x16xf32, #tpu.memory_space<vmem_shared>> -> memref<10240x16xf32, #tpu.memory_space<vmem_shared>>
        tpu.wait_indirect_dma semaphore(%run_scoped3A : memref<!tpu.dma_semaphore, #tpu.memory_space<semaphore_mem>>) src(%arg6 : memref<128x16xf32, #tpu.memory_space<vmem>>) dst(%dma_wait3A_39 : memref<10240x16xf32, #tpu.memory_space<vmem_shared>>)
        tpu.yield
      }) : () -> ()
    }
    %scan3A_16 = arith.constant 80 : i32
    %barrier3A_17 = arith.constant 0 : index
    tpu.barrier barrier_id(%barrier3A_17)
    %eq3A = arith.constant 0 : i32
    %eq3A_18 = arith.cmpi eq, %arg0, %eq3A : i32
    %convert_element_type3A = arith.extui %eq3A_18 : i1 to i32
    %cond3A = arith.constant 0 : i32
    %cond3A_19 = arith.cmpi ne, %convert_element_type3A, %cond3A : i32
    scf.if %cond3A_19 {
      %mul3A_25 = arith.constant 640 : i32
      %mul3A_26 = arith.muli %arg1, %mul3A_25 : i32
      %mul3A_27 = arith.constant 640 : i32
      %mul3A_28 = arith.muli %arg1, %mul3A_27 : i32
      "tpu.region"() ({
        %run_scoped3A = tpu.sem_alloc : memref<!tpu.dma_semaphore, #tpu.memory_space<semaphore_mem>>
        %dma_start3A = arith.constant 0 : i32
        %dma_start3A_29 = tpu.memref_slice %arg3[%mul3A_28, %dma_start3A] : memref<10240x16xf32, #tpu.memory_space<hbm>> -> memref<640x16xf32, #tpu.memory_space<hbm>>
        %dma_start3A_30 = arith.constant 0 : i32
        %dma_start3A_31 = tpu.memref_slice %arg8[%mul3A_26, %dma_start3A_30] : memref<10240x16xf32, #tpu.memory_space<vmem_shared>> -> memref<640x16xf32, #tpu.memory_space<vmem_shared>>
        tpu.enqueue_dma source(%dma_start3A_31 : memref<640x16xf32, #tpu.memory_space<vmem_shared>>) target(%dma_start3A_29 : memref<640x16xf32, #tpu.memory_space<hbm>>) target_semaphore(%run_scoped3A : memref<!tpu.dma_semaphore, #tpu.memory_space<semaphore_mem>>)
        %dma_wait3A = arith.constant 0 : i32
        %dma_wait3A_32 = tpu.memref_slice %arg3[%mul3A_28, %dma_wait3A] : memref<10240x16xf32, #tpu.memory_space<hbm>> -> memref<640x16xf32, #tpu.memory_space<hbm>>
        %dma_wait3A_33 = arith.constant 0 : i32
        %dma_wait3A_34 = tpu.memref_slice %arg8[%mul3A_26, %dma_wait3A_33] : memref<10240x16xf32, #tpu.memory_space<vmem_shared>> -> memref<640x16xf32, #tpu.memory_space<vmem_shared>>
        tpu.wait_dma2 semaphore(%run_scoped3A : memref<!tpu.dma_semaphore, #tpu.memory_space<semaphore_mem>>) src(%dma_wait3A_34 : memref<640x16xf32, #tpu.memory_space<vmem_shared>>) dst(%dma_wait3A_32 : memref<640x16xf32, #tpu.memory_space<hbm>>)
        tpu.yield
      }) : () -> ()
    } else {
    }
    %eq3A_20 = arith.constant 1 : i32
    %eq3A_21 = arith.cmpi eq, %arg0, %eq3A_20 : i32
    %convert_element_type3A_22 = arith.extui %eq3A_21 : i1 to i32
    %cond3A_23 = arith.constant 0 : i32
    %cond3A_24 = arith.cmpi ne, %convert_element_type3A_22, %cond3A_23 : i32
    scf.if %cond3A_24 {
      %mul3A_25 = arith.constant 640 : i32
      %mul3A_26 = arith.muli %arg1, %mul3A_25 : i32
      %mul3A_27 = arith.constant 640 : i32
      %mul3A_28 = arith.muli %arg1, %mul3A_27 : i32
      "tpu.region"() ({
        %run_scoped3A = tpu.sem_alloc : memref<!tpu.dma_semaphore, #tpu.memory_space<semaphore_mem>>
        %dma_start3A = arith.constant 0 : i32
        %dma_start3A_29 = tpu.memref_slice %arg4[%mul3A_28, %dma_start3A] : memref<10240x16xf32, #tpu.memory_space<hbm>> -> memref<640x16xf32, #tpu.memory_space<hbm>>
        %dma_start3A_30 = arith.constant 0 : i32
        %dma_start3A_31 = tpu.memref_slice %arg8[%mul3A_26, %dma_start3A_30] : memref<10240x16xf32, #tpu.memory_space<vmem_shared>> -> memref<640x16xf32, #tpu.memory_space<vmem_shared>>
        tpu.enqueue_dma source(%dma_start3A_31 : memref<640x16xf32, #tpu.memory_space<vmem_shared>>) target(%dma_start3A_29 : memref<640x16xf32, #tpu.memory_space<hbm>>) target_semaphore(%run_scoped3A : memref<!tpu.dma_semaphore, #tpu.memory_space<semaphore_mem>>)
        %dma_wait3A = arith.constant 0 : i32
        %dma_wait3A_32 = tpu.memref_slice %arg4[%mul3A_28, %dma_wait3A] : memref<10240x16xf32, #tpu.memory_space<hbm>> -> memref<640x16xf32, #tpu.memory_space<hbm>>
        %dma_wait3A_33 = arith.constant 0 : i32
        %dma_wait3A_34 = tpu.memref_slice %arg8[%mul3A_26, %dma_wait3A_33] : memref<10240x16xf32, #tpu.memory_space<vmem_shared>> -> memref<640x16xf32, #tpu.memory_space<vmem_shared>>
        tpu.wait_dma2 semaphore(%run_scoped3A : memref<!tpu.dma_semaphore, #tpu.memory_space<semaphore_mem>>) src(%dma_wait3A_34 : memref<640x16xf32, #tpu.memory_space<vmem_shared>>) dst(%dma_wait3A_32 : memref<640x16xf32, #tpu.memory_space<hbm>>)
        tpu.yield
      }) : () -> ()
    } else {
    }
    return
  }
}

#map = affine_map<(d0, d1) -> (0, 0)>
module attributes {stable_mosaic.version = 14 : i64} {
  func.func @edge_kernel(%arg0: i32, %arg1: i32, %arg2: memref<10240x128xf32, #tpu.memory_space<hbm>>, %arg3: memref<2560x128xi32, #tpu.memory_space<hbm>>, %arg4: memref<2560x128xi32, #tpu.memory_space<hbm>>, %arg5: memref<10240x128xf32, #tpu.memory_space<hbm>>, %arg6: memref<10240x128xf32, #tpu.memory_space<hbm>>, %arg7: memref<32x128xi32, #tpu.memory_space<vmem>>, %arg8: memref<32x128xi32, #tpu.memory_space<vmem>>, %arg9: memref<128x128xf32, #tpu.memory_space<vmem>>, %arg10: memref<128x128xf32, #tpu.memory_space<vmem>>, %arg11: memref<10240x128xf32, #tpu.memory_space<vmem_shared>>, %arg12: memref<!tpu.dma_semaphore, #tpu.memory_space<semaphore_mem>>, %arg13: memref<!tpu.dma_semaphore, #tpu.memory_space<semaphore_mem>>) attributes {dimension_semantics = [#tpu.dimension_semantics<core_parallel>, #tpu.dimension_semantics<subcore_parallel>], iteration_bounds = array<i64: 2, 16>, scalar_prefetch = 0 : i64, scratch_operands = 7 : i64, tpu.core_type = #tpu.core_type<sc_vector_subcore>, window_params = [{transform_indices = #map}, {transform_indices = #map}, {transform_indices = #map}, {transform_indices = #map}, {transform_indices = #map}]} {
    %mul3A = arith.constant 640 : i32
    %mul3A_0 = arith.muli %arg1, %mul3A : i32
    %mul3A_1 = arith.constant 640 : i32
    %mul3A_2 = arith.muli %arg1, %mul3A_1 : i32
    "tpu.region"() ({
      %run_scoped3A = tpu.sem_alloc : memref<!tpu.dma_semaphore, #tpu.memory_space<semaphore_mem>>
      %dma_start3A = arith.constant 0 : i32
      %dma_start3A_21 = tpu.memref_slice %arg11[%mul3A_2, %dma_start3A] : memref<10240x128xf32, #tpu.memory_space<vmem_shared>> -> memref<640x128xf32, #tpu.memory_space<vmem_shared>>
      %dma_start3A_22 = arith.constant 0 : i32
      %dma_start3A_23 = tpu.memref_slice %arg2[%mul3A_0, %dma_start3A_22] : memref<10240x128xf32, #tpu.memory_space<hbm>> -> memref<640x128xf32, #tpu.memory_space<hbm>>
      tpu.enqueue_dma source(%dma_start3A_23 : memref<640x128xf32, #tpu.memory_space<hbm>>) target(%dma_start3A_21 : memref<640x128xf32, #tpu.memory_space<vmem_shared>>) target_semaphore(%run_scoped3A : memref<!tpu.dma_semaphore, #tpu.memory_space<semaphore_mem>>)
      %dma_wait3A = arith.constant 0 : i32
      %dma_wait3A_24 = tpu.memref_slice %arg11[%mul3A_2, %dma_wait3A] : memref<10240x128xf32, #tpu.memory_space<vmem_shared>> -> memref<640x128xf32, #tpu.memory_space<vmem_shared>>
      %dma_wait3A_25 = arith.constant 0 : i32
      %dma_wait3A_26 = tpu.memref_slice %arg2[%mul3A_0, %dma_wait3A_25] : memref<10240x128xf32, #tpu.memory_space<hbm>> -> memref<640x128xf32, #tpu.memory_space<hbm>>
      tpu.wait_dma2 semaphore(%run_scoped3A : memref<!tpu.dma_semaphore, #tpu.memory_space<semaphore_mem>>) src(%dma_wait3A_26 : memref<640x128xf32, #tpu.memory_space<hbm>>) dst(%dma_wait3A_24 : memref<640x128xf32, #tpu.memory_space<vmem_shared>>)
      tpu.yield
    }) : () -> ()
    %barrier3A = arith.constant 0 : index
    tpu.barrier barrier_id(%barrier3A)
    %eq3A = arith.constant 0 : i32
    %eq3A_3 = arith.cmpi eq, %arg0, %eq3A : i32
    %convert_element_type3A = arith.extui %eq3A_3 : i1 to i32
    %cond3A = arith.constant 0 : i32
    %cond3A_4 = arith.cmpi ne, %convert_element_type3A, %cond3A : i32
    scf.if %cond3A_4 {
      %mul3A_21 = arith.constant 128 : i32
      %mul3A_22 = arith.muli %arg1, %mul3A_21 : i32
      %add3A = arith.constant 0 : i32
      %add3A_23 = arith.addi %mul3A_22, %add3A : i32
      "tpu.region"() ({
        %run_scoped3A = tpu.sem_alloc : memref<!tpu.dma_semaphore, #tpu.memory_space<semaphore_mem>>
        %dma_start3A_110 = arith.constant 0 : i32
        %dma_start3A_111 = tpu.memref_slice %arg3[%add3A_23, %dma_start3A_110] : memref<2560x128xi32, #tpu.memory_space<hbm>> -> memref<32x128xi32, #tpu.memory_space<hbm>>
        %dma_start3A_112 = arith.constant 0 : i32
        %dma_start3A_113 = tpu.memref_slice %arg3[%add3A_23, %dma_start3A_112] : memref<2560x128xi32, #tpu.memory_space<hbm>> -> memref<32x128xi32, #tpu.memory_space<hbm>>
        tpu.enqueue_dma source(%dma_start3A_113 : memref<32x128xi32, #tpu.memory_space<hbm>>) target(%arg7 : memref<32x128xi32, #tpu.memory_space<vmem>>) target_semaphore(%run_scoped3A : memref<!tpu.dma_semaphore, #tpu.memory_space<semaphore_mem>>)
        %dma_wait3A = arith.constant 0 : i32
        %dma_wait3A_114 = tpu.memref_slice %arg3[%add3A_23, %dma_wait3A] : memref<2560x128xi32, #tpu.memory_space<hbm>> -> memref<32x128xi32, #tpu.memory_space<hbm>>
        %dma_wait3A_115 = arith.constant 0 : i32
        %dma_wait3A_116 = tpu.memref_slice %arg3[%add3A_23, %dma_wait3A_115] : memref<2560x128xi32, #tpu.memory_space<hbm>> -> memref<32x128xi32, #tpu.memory_space<hbm>>
        tpu.wait_dma2 semaphore(%run_scoped3A : memref<!tpu.dma_semaphore, #tpu.memory_space<semaphore_mem>>) src(%dma_wait3A_116 : memref<32x128xi32, #tpu.memory_space<hbm>>) dst(%arg7 : memref<32x128xi32, #tpu.memory_space<vmem>>)
        tpu.yield
      }) : () -> ()
      "tpu.region"() ({
        %run_scoped3A = tpu.sem_alloc : memref<!tpu.dma_semaphore, #tpu.memory_space<semaphore_mem>>
        %dma_start3A_110 = arith.constant 0 : i32
        %dma_start3A_111 = tpu.memref_slice %arg4[%add3A_23, %dma_start3A_110] : memref<2560x128xi32, #tpu.memory_space<hbm>> -> memref<32x128xi32, #tpu.memory_space<hbm>>
        %dma_start3A_112 = arith.constant 0 : i32
        %dma_start3A_113 = tpu.memref_slice %arg4[%add3A_23, %dma_start3A_112] : memref<2560x128xi32, #tpu.memory_space<hbm>> -> memref<32x128xi32, #tpu.memory_space<hbm>>
        tpu.enqueue_dma source(%dma_start3A_113 : memref<32x128xi32, #tpu.memory_space<hbm>>) target(%arg8 : memref<32x128xi32, #tpu.memory_space<vmem>>) target_semaphore(%run_scoped3A : memref<!tpu.dma_semaphore, #tpu.memory_space<semaphore_mem>>)
        %dma_wait3A = arith.constant 0 : i32
        %dma_wait3A_114 = tpu.memref_slice %arg4[%add3A_23, %dma_wait3A] : memref<2560x128xi32, #tpu.memory_space<hbm>> -> memref<32x128xi32, #tpu.memory_space<hbm>>
        %dma_wait3A_115 = arith.constant 0 : i32
        %dma_wait3A_116 = tpu.memref_slice %arg4[%add3A_23, %dma_wait3A_115] : memref<2560x128xi32, #tpu.memory_space<hbm>> -> memref<32x128xi32, #tpu.memory_space<hbm>>
        tpu.wait_dma2 semaphore(%run_scoped3A : memref<!tpu.dma_semaphore, #tpu.memory_space<semaphore_mem>>) src(%dma_wait3A_116 : memref<32x128xi32, #tpu.memory_space<hbm>>) dst(%arg8 : memref<32x128xi32, #tpu.memory_space<vmem>>)
        tpu.yield
      }) : () -> ()
      %dma_start3A = arith.constant 0 : i32
      %dma_start3A_24 = arith.constant 0 : i32
      %dma_start3A_25 = tpu.memref_slice %arg7[%dma_start3A, %dma_start3A_24] : memref<32x128xi32, #tpu.memory_space<vmem>> -> memref<1x128xi32, #tpu.memory_space<vmem>>
      %dma_start3A_26 = tpu.memref_squeeze %dma_start3A_25 : memref<1x128xi32, #tpu.memory_space<vmem>> -> memref<128xi32, #tpu.memory_space<vmem>>
      %dma_start3A_27 = arith.constant 0 : i32
      %dma_start3A_28 = arith.constant 0 : i32
      %dma_start3A_29 = tpu.memref_slice %arg2[%dma_start3A_27, %dma_start3A_28] : memref<10240x128xf32, #tpu.memory_space<hbm>> -> memref<10240x128xf32, #tpu.memory_space<hbm>>
      tpu.enqueue_indirect_dma source(%dma_start3A_29 : memref<10240x128xf32, #tpu.memory_space<hbm>>) target(%arg9 : memref<128x128xf32, #tpu.memory_space<vmem>>) offsets(%dma_start3A_26 : memref<128xi32, #tpu.memory_space<vmem>>) semaphore(%arg12 : memref<!tpu.dma_semaphore, #tpu.memory_space<semaphore_mem>>)
      %dma_start3A_30 = arith.constant 1 : i32
      %dma_start3A_31 = arith.constant 0 : i32
      %dma_start3A_32 = tpu.memref_slice %arg7[%dma_start3A_30, %dma_start3A_31] : memref<32x128xi32, #tpu.memory_space<vmem>> -> memref<1x128xi32, #tpu.memory_space<vmem>>
      %dma_start3A_33 = tpu.memref_squeeze %dma_start3A_32 : memref<1x128xi32, #tpu.memory_space<vmem>> -> memref<128xi32, #tpu.memory_space<vmem>>
      %dma_start3A_34 = arith.constant 0 : i32
      %dma_start3A_35 = arith.constant 0 : i32
      %dma_start3A_36 = tpu.memref_slice %arg2[%dma_start3A_34, %dma_start3A_35] : memref<10240x128xf32, #tpu.memory_space<hbm>> -> memref<10240x128xf32, #tpu.memory_space<hbm>>
      tpu.enqueue_indirect_dma source(%dma_start3A_36 : memref<10240x128xf32, #tpu.memory_space<hbm>>) target(%arg10 : memref<128x128xf32, #tpu.memory_space<vmem>>) offsets(%dma_start3A_33 : memref<128xi32, #tpu.memory_space<vmem>>) semaphore(%arg13 : memref<!tpu.dma_semaphore, #tpu.memory_space<semaphore_mem>>)
      %scan3A = arith.constant 0 : i32
      %scan3A_37 = arith.constant 16 : i32
      %scan3A_38 = arith.addi %scan3A, %scan3A_37 : i32
      %scan3A_39 = arith.constant 1 : i32
      scf.for %scan3A_110 = %scan3A to %scan3A_38 step %scan3A_39  : i32 {
        %mul3A_111 = arith.constant 2 : i32
        %mul3A_112 = arith.muli %scan3A_110, %mul3A_111 : i32
        %add3A_113 = arith.constant 0 : i32
        %add3A_114 = arith.addi %add3A_113, %mul3A_112 : i32
        %dma_wait3A = arith.constant 0 : i32
        %dma_wait3A_115 = tpu.memref_slice %arg7[%add3A_114, %dma_wait3A] : memref<32x128xi32, #tpu.memory_space<vmem>> -> memref<1x128xi32, #tpu.memory_space<vmem>>
        %dma_wait3A_116 = tpu.memref_squeeze %dma_wait3A_115 : memref<1x128xi32, #tpu.memory_space<vmem>> -> memref<128xi32, #tpu.memory_space<vmem>>
        %dma_wait3A_117 = arith.constant 0 : i32
        %dma_wait3A_118 = arith.constant 0 : i32
        %dma_wait3A_119 = tpu.memref_slice %arg2[%dma_wait3A_117, %dma_wait3A_118] : memref<10240x128xf32, #tpu.memory_space<hbm>> -> memref<10240x128xf32, #tpu.memory_space<hbm>>
        tpu.wait_indirect_dma semaphore(%arg12 : memref<!tpu.dma_semaphore, #tpu.memory_space<semaphore_mem>>) src(%dma_wait3A_119 : memref<10240x128xf32, #tpu.memory_space<hbm>>) dst(%arg9 : memref<128x128xf32, #tpu.memory_space<vmem>>)
        "tpu.region"() ({
          %run_scoped3A = tpu.sem_alloc : memref<!tpu.dma_semaphore, #tpu.memory_space<semaphore_mem>>
          %dma_start3A_143 = arith.constant 0 : i32
          %dma_start3A_144 = tpu.memref_slice %arg8[%add3A_114, %dma_start3A_143] : memref<32x128xi32, #tpu.memory_space<vmem>> -> memref<1x128xi32, #tpu.memory_space<vmem>>
          %dma_start3A_145 = tpu.memref_squeeze %dma_start3A_144 : memref<1x128xi32, #tpu.memory_space<vmem>> -> memref<128xi32, #tpu.memory_space<vmem>>
          %dma_start3A_146 = arith.constant 0 : i32
          %dma_start3A_147 = arith.constant 0 : i32
          %dma_start3A_148 = tpu.memref_slice %arg11[%dma_start3A_146, %dma_start3A_147] : memref<10240x128xf32, #tpu.memory_space<vmem_shared>> -> memref<10240x128xf32, #tpu.memory_space<vmem_shared>>
          tpu.enqueue_indirect_dma source(%arg9 : memref<128x128xf32, #tpu.memory_space<vmem>>) target(%dma_start3A_148 : memref<10240x128xf32, #tpu.memory_space<vmem_shared>>) offsets(%dma_start3A_145 : memref<128xi32, #tpu.memory_space<vmem>>) semaphore(%run_scoped3A : memref<!tpu.dma_semaphore, #tpu.memory_space<semaphore_mem>>) {add = true}
          %dma_wait3A_149 = arith.constant 0 : i32
          %dma_wait3A_150 = tpu.memref_slice %arg8[%add3A_114, %dma_wait3A_149] : memref<32x128xi32, #tpu.memory_space<vmem>> -> memref<1x128xi32, #tpu.memory_space<vmem>>
          %dma_wait3A_151 = tpu.memref_squeeze %dma_wait3A_150 : memref<1x128xi32, #tpu.memory_space<vmem>> -> memref<128xi32, #tpu.memory_space<vmem>>
          %dma_wait3A_152 = arith.constant 0 : i32
          %dma_wait3A_153 = arith.constant 0 : i32
          %dma_wait3A_154 = tpu.memref_slice %arg11[%dma_wait3A_152, %dma_wait3A_153] : memref<10240x128xf32, #tpu.memory_space<vmem_shared>> -> memref<10240x128xf32, #tpu.memory_space<vmem_shared>>
          tpu.wait_indirect_dma semaphore(%run_scoped3A : memref<!tpu.dma_semaphore, #tpu.memory_space<semaphore_mem>>) src(%arg9 : memref<128x128xf32, #tpu.memory_space<vmem>>) dst(%dma_wait3A_154 : memref<10240x128xf32, #tpu.memory_space<vmem_shared>>)
          tpu.yield
        }) : () -> ()
        %add3A_120 = arith.constant 2 : i32
        %add3A_121 = arith.addi %add3A_114, %add3A_120 : i32
        %lt3A = arith.constant 32 : i32
        %lt3A_122 = arith.cmpi slt, %add3A_121, %lt3A : i32
        %convert_element_type3A_123 = arith.extui %lt3A_122 : i1 to i32
        %cond3A_124 = arith.constant 0 : i32
        %cond3A_125 = arith.cmpi ne, %convert_element_type3A_123, %cond3A_124 : i32
        scf.if %cond3A_125 {
          %add3A_143 = arith.constant 2 : i32
          %add3A_144 = arith.addi %add3A_114, %add3A_143 : i32
          %dma_start3A_145 = arith.constant 0 : i32
          %dma_start3A_146 = tpu.memref_slice %arg7[%add3A_144, %dma_start3A_145] : memref<32x128xi32, #tpu.memory_space<vmem>> -> memref<1x128xi32, #tpu.memory_space<vmem>>
          %dma_start3A_147 = tpu.memref_squeeze %dma_start3A_146 : memref<1x128xi32, #tpu.memory_space<vmem>> -> memref<128xi32, #tpu.memory_space<vmem>>
          %dma_start3A_148 = arith.constant 0 : i32
          %dma_start3A_149 = arith.constant 0 : i32
          %dma_start3A_150 = tpu.memref_slice %arg2[%dma_start3A_148, %dma_start3A_149] : memref<10240x128xf32, #tpu.memory_space<hbm>> -> memref<10240x128xf32, #tpu.memory_space<hbm>>
          tpu.enqueue_indirect_dma source(%dma_start3A_150 : memref<10240x128xf32, #tpu.memory_space<hbm>>) target(%arg9 : memref<128x128xf32, #tpu.memory_space<vmem>>) offsets(%dma_start3A_147 : memref<128xi32, #tpu.memory_space<vmem>>) semaphore(%arg12 : memref<!tpu.dma_semaphore, #tpu.memory_space<semaphore_mem>>)
        } else {
        }
        %add3A_126 = arith.constant 1 : i32
        %add3A_127 = arith.addi %add3A_114, %add3A_126 : i32
        %dma_wait3A_128 = arith.constant 0 : i32
        %dma_wait3A_129 = tpu.memref_slice %arg7[%add3A_127, %dma_wait3A_128] : memref<32x128xi32, #tpu.memory_space<vmem>> -> memref<1x128xi32, #tpu.memory_space<vmem>>
        %dma_wait3A_130 = tpu.memref_squeeze %dma_wait3A_129 : memref<1x128xi32, #tpu.memory_space<vmem>> -> memref<128xi32, #tpu.memory_space<vmem>>
        %dma_wait3A_131 = arith.constant 0 : i32
        %dma_wait3A_132 = arith.constant 0 : i32
        %dma_wait3A_133 = tpu.memref_slice %arg2[%dma_wait3A_131, %dma_wait3A_132] : memref<10240x128xf32, #tpu.memory_space<hbm>> -> memref<10240x128xf32, #tpu.memory_space<hbm>>
        tpu.wait_indirect_dma semaphore(%arg13 : memref<!tpu.dma_semaphore, #tpu.memory_space<semaphore_mem>>) src(%dma_wait3A_133 : memref<10240x128xf32, #tpu.memory_space<hbm>>) dst(%arg10 : memref<128x128xf32, #tpu.memory_space<vmem>>)
        %add3A_134 = arith.constant 1 : i32
        %add3A_135 = arith.addi %add3A_114, %add3A_134 : i32
        "tpu.region"() ({
          %run_scoped3A = tpu.sem_alloc : memref<!tpu.dma_semaphore, #tpu.memory_space<semaphore_mem>>
          %dma_start3A_143 = arith.constant 0 : i32
          %dma_start3A_144 = tpu.memref_slice %arg8[%add3A_135, %dma_start3A_143] : memref<32x128xi32, #tpu.memory_space<vmem>> -> memref<1x128xi32, #tpu.memory_space<vmem>>
          %dma_start3A_145 = tpu.memref_squeeze %dma_start3A_144 : memref<1x128xi32, #tpu.memory_space<vmem>> -> memref<128xi32, #tpu.memory_space<vmem>>
          %dma_start3A_146 = arith.constant 0 : i32
          %dma_start3A_147 = arith.constant 0 : i32
          %dma_start3A_148 = tpu.memref_slice %arg11[%dma_start3A_146, %dma_start3A_147] : memref<10240x128xf32, #tpu.memory_space<vmem_shared>> -> memref<10240x128xf32, #tpu.memory_space<vmem_shared>>
          tpu.enqueue_indirect_dma source(%arg10 : memref<128x128xf32, #tpu.memory_space<vmem>>) target(%dma_start3A_148 : memref<10240x128xf32, #tpu.memory_space<vmem_shared>>) offsets(%dma_start3A_145 : memref<128xi32, #tpu.memory_space<vmem>>) semaphore(%run_scoped3A : memref<!tpu.dma_semaphore, #tpu.memory_space<semaphore_mem>>) {add = true}
          %dma_wait3A_149 = arith.constant 0 : i32
          %dma_wait3A_150 = tpu.memref_slice %arg8[%add3A_135, %dma_wait3A_149] : memref<32x128xi32, #tpu.memory_space<vmem>> -> memref<1x128xi32, #tpu.memory_space<vmem>>
          %dma_wait3A_151 = tpu.memref_squeeze %dma_wait3A_150 : memref<1x128xi32, #tpu.memory_space<vmem>> -> memref<128xi32, #tpu.memory_space<vmem>>
          %dma_wait3A_152 = arith.constant 0 : i32
          %dma_wait3A_153 = arith.constant 0 : i32
          %dma_wait3A_154 = tpu.memref_slice %arg11[%dma_wait3A_152, %dma_wait3A_153] : memref<10240x128xf32, #tpu.memory_space<vmem_shared>> -> memref<10240x128xf32, #tpu.memory_space<vmem_shared>>
          tpu.wait_indirect_dma semaphore(%run_scoped3A : memref<!tpu.dma_semaphore, #tpu.memory_space<semaphore_mem>>) src(%arg10 : memref<128x128xf32, #tpu.memory_space<vmem>>) dst(%dma_wait3A_154 : memref<10240x128xf32, #tpu.memory_space<vmem_shared>>)
          tpu.yield
        }) : () -> ()
        %add3A_136 = arith.constant 3 : i32
        %add3A_137 = arith.addi %add3A_114, %add3A_136 : i32
        %lt3A_138 = arith.constant 32 : i32
        %lt3A_139 = arith.cmpi slt, %add3A_137, %lt3A_138 : i32
        %convert_element_type3A_140 = arith.extui %lt3A_139 : i1 to i32
        %cond3A_141 = arith.constant 0 : i32
        %cond3A_142 = arith.cmpi ne, %convert_element_type3A_140, %cond3A_141 : i32
        scf.if %cond3A_142 {
          %add3A_143 = arith.constant 3 : i32
          %add3A_144 = arith.addi %add3A_114, %add3A_143 : i32
          %dma_start3A_145 = arith.constant 0 : i32
          %dma_start3A_146 = tpu.memref_slice %arg7[%add3A_144, %dma_start3A_145] : memref<32x128xi32, #tpu.memory_space<vmem>> -> memref<1x128xi32, #tpu.memory_space<vmem>>
          %dma_start3A_147 = tpu.memref_squeeze %dma_start3A_146 : memref<1x128xi32, #tpu.memory_space<vmem>> -> memref<128xi32, #tpu.memory_space<vmem>>
          %dma_start3A_148 = arith.constant 0 : i32
          %dma_start3A_149 = arith.constant 0 : i32
          %dma_start3A_150 = tpu.memref_slice %arg2[%dma_start3A_148, %dma_start3A_149] : memref<10240x128xf32, #tpu.memory_space<hbm>> -> memref<10240x128xf32, #tpu.memory_space<hbm>>
          tpu.enqueue_indirect_dma source(%dma_start3A_150 : memref<10240x128xf32, #tpu.memory_space<hbm>>) target(%arg10 : memref<128x128xf32, #tpu.memory_space<vmem>>) offsets(%dma_start3A_147 : memref<128xi32, #tpu.memory_space<vmem>>) semaphore(%arg13 : memref<!tpu.dma_semaphore, #tpu.memory_space<semaphore_mem>>)
        } else {
        }
      }
      %scan3A_40 = arith.constant 16 : i32
      %mul3A_41 = arith.constant 128 : i32
      %mul3A_42 = arith.muli %arg1, %mul3A_41 : i32
      %add3A_43 = arith.constant 32 : i32
      %add3A_44 = arith.addi %mul3A_42, %add3A_43 : i32
      "tpu.region"() ({
        %run_scoped3A = tpu.sem_alloc : memref<!tpu.dma_semaphore, #tpu.memory_space<semaphore_mem>>
        %dma_start3A_110 = arith.constant 0 : i32
        %dma_start3A_111 = tpu.memref_slice %arg3[%add3A_44, %dma_start3A_110] : memref<2560x128xi32, #tpu.memory_space<hbm>> -> memref<32x128xi32, #tpu.memory_space<hbm>>
        %dma_start3A_112 = arith.constant 0 : i32
        %dma_start3A_113 = tpu.memref_slice %arg3[%add3A_44, %dma_start3A_112] : memref<2560x128xi32, #tpu.memory_space<hbm>> -> memref<32x128xi32, #tpu.memory_space<hbm>>
        tpu.enqueue_dma source(%dma_start3A_113 : memref<32x128xi32, #tpu.memory_space<hbm>>) target(%arg7 : memref<32x128xi32, #tpu.memory_space<vmem>>) target_semaphore(%run_scoped3A : memref<!tpu.dma_semaphore, #tpu.memory_space<semaphore_mem>>)
        %dma_wait3A = arith.constant 0 : i32
        %dma_wait3A_114 = tpu.memref_slice %arg3[%add3A_44, %dma_wait3A] : memref<2560x128xi32, #tpu.memory_space<hbm>> -> memref<32x128xi32, #tpu.memory_space<hbm>>
        %dma_wait3A_115 = arith.constant 0 : i32
        %dma_wait3A_116 = tpu.memref_slice %arg3[%add3A_44, %dma_wait3A_115] : memref<2560x128xi32, #tpu.memory_space<hbm>> -> memref<32x128xi32, #tpu.memory_space<hbm>>
        tpu.wait_dma2 semaphore(%run_scoped3A : memref<!tpu.dma_semaphore, #tpu.memory_space<semaphore_mem>>) src(%dma_wait3A_116 : memref<32x128xi32, #tpu.memory_space<hbm>>) dst(%arg7 : memref<32x128xi32, #tpu.memory_space<vmem>>)
        tpu.yield
      }) : () -> ()
      "tpu.region"() ({
        %run_scoped3A = tpu.sem_alloc : memref<!tpu.dma_semaphore, #tpu.memory_space<semaphore_mem>>
        %dma_start3A_110 = arith.constant 0 : i32
        %dma_start3A_111 = tpu.memref_slice %arg4[%add3A_44, %dma_start3A_110] : memref<2560x128xi32, #tpu.memory_space<hbm>> -> memref<32x128xi32, #tpu.memory_space<hbm>>
        %dma_start3A_112 = arith.constant 0 : i32
        %dma_start3A_113 = tpu.memref_slice %arg4[%add3A_44, %dma_start3A_112] : memref<2560x128xi32, #tpu.memory_space<hbm>> -> memref<32x128xi32, #tpu.memory_space<hbm>>
        tpu.enqueue_dma source(%dma_start3A_113 : memref<32x128xi32, #tpu.memory_space<hbm>>) target(%arg8 : memref<32x128xi32, #tpu.memory_space<vmem>>) target_semaphore(%run_scoped3A : memref<!tpu.dma_semaphore, #tpu.memory_space<semaphore_mem>>)
        %dma_wait3A = arith.constant 0 : i32
        %dma_wait3A_114 = tpu.memref_slice %arg4[%add3A_44, %dma_wait3A] : memref<2560x128xi32, #tpu.memory_space<hbm>> -> memref<32x128xi32, #tpu.memory_space<hbm>>
        %dma_wait3A_115 = arith.constant 0 : i32
        %dma_wait3A_116 = tpu.memref_slice %arg4[%add3A_44, %dma_wait3A_115] : memref<2560x128xi32, #tpu.memory_space<hbm>> -> memref<32x128xi32, #tpu.memory_space<hbm>>
        tpu.wait_dma2 semaphore(%run_scoped3A : memref<!tpu.dma_semaphore, #tpu.memory_space<semaphore_mem>>) src(%dma_wait3A_116 : memref<32x128xi32, #tpu.memory_space<hbm>>) dst(%arg8 : memref<32x128xi32, #tpu.memory_space<vmem>>)
        tpu.yield
      }) : () -> ()
      %dma_start3A_45 = arith.constant 0 : i32
      %dma_start3A_46 = arith.constant 0 : i32
      %dma_start3A_47 = tpu.memref_slice %arg7[%dma_start3A_45, %dma_start3A_46] : memref<32x128xi32, #tpu.memory_space<vmem>> -> memref<1x128xi32, #tpu.memory_space<vmem>>
      %dma_start3A_48 = tpu.memref_squeeze %dma_start3A_47 : memref<1x128xi32, #tpu.memory_space<vmem>> -> memref<128xi32, #tpu.memory_space<vmem>>
      %dma_start3A_49 = arith.constant 0 : i32
      %dma_start3A_50 = arith.constant 0 : i32
      %dma_start3A_51 = tpu.memref_slice %arg2[%dma_start3A_49, %dma_start3A_50] : memref<10240x128xf32, #tpu.memory_space<hbm>> -> memref<10240x128xf32, #tpu.memory_space<hbm>>
      tpu.enqueue_indirect_dma source(%dma_start3A_51 : memref<10240x128xf32, #tpu.memory_space<hbm>>) target(%arg9 : memref<128x128xf32, #tpu.memory_space<vmem>>) offsets(%dma_start3A_48 : memref<128xi32, #tpu.memory_space<vmem>>) semaphore(%arg12 : memref<!tpu.dma_semaphore, #tpu.memory_space<semaphore_mem>>)
      %dma_start3A_52 = arith.constant 1 : i32
      %dma_start3A_53 = arith.constant 0 : i32
      %dma_start3A_54 = tpu.memref_slice %arg7[%dma_start3A_52, %dma_start3A_53] : memref<32x128xi32, #tpu.memory_space<vmem>> -> memref<1x128xi32, #tpu.memory_space<vmem>>
      %dma_start3A_55 = tpu.memref_squeeze %dma_start3A_54 : memref<1x128xi32, #tpu.memory_space<vmem>> -> memref<128xi32, #tpu.memory_space<vmem>>
      %dma_start3A_56 = arith.constant 0 : i32
      %dma_start3A_57 = arith.constant 0 : i32
      %dma_start3A_58 = tpu.memref_slice %arg2[%dma_start3A_56, %dma_start3A_57] : memref<10240x128xf32, #tpu.memory_space<hbm>> -> memref<10240x128xf32, #tpu.memory_space<hbm>>
      tpu.enqueue_indirect_dma source(%dma_start3A_58 : memref<10240x128xf32, #tpu.memory_space<hbm>>) target(%arg10 : memref<128x128xf32, #tpu.memory_space<vmem>>) offsets(%dma_start3A_55 : memref<128xi32, #tpu.memory_space<vmem>>) semaphore(%arg13 : memref<!tpu.dma_semaphore, #tpu.memory_space<semaphore_mem>>)
      %scan3A_59 = arith.constant 0 : i32
      %scan3A_60 = arith.constant 16 : i32
      %scan3A_61 = arith.addi %scan3A_59, %scan3A_60 : i32
      %scan3A_62 = arith.constant 1 : i32
      scf.for %scan3A_110 = %scan3A_59 to %scan3A_61 step %scan3A_62  : i32 {
        %mul3A_111 = arith.constant 2 : i32
        %mul3A_112 = arith.muli %scan3A_110, %mul3A_111 : i32
        %add3A_113 = arith.constant 0 : i32
        %add3A_114 = arith.addi %add3A_113, %mul3A_112 : i32
        %dma_wait3A = arith.constant 0 : i32
        %dma_wait3A_115 = tpu.memref_slice %arg7[%add3A_114, %dma_wait3A] : memref<32x128xi32, #tpu.memory_space<vmem>> -> memref<1x128xi32, #tpu.memory_space<vmem>>
        %dma_wait3A_116 = tpu.memref_squeeze %dma_wait3A_115 : memref<1x128xi32, #tpu.memory_space<vmem>> -> memref<128xi32, #tpu.memory_space<vmem>>
        %dma_wait3A_117 = arith.constant 0 : i32
        %dma_wait3A_118 = arith.constant 0 : i32
        %dma_wait3A_119 = tpu.memref_slice %arg2[%dma_wait3A_117, %dma_wait3A_118] : memref<10240x128xf32, #tpu.memory_space<hbm>> -> memref<10240x128xf32, #tpu.memory_space<hbm>>
        tpu.wait_indirect_dma semaphore(%arg12 : memref<!tpu.dma_semaphore, #tpu.memory_space<semaphore_mem>>) src(%dma_wait3A_119 : memref<10240x128xf32, #tpu.memory_space<hbm>>) dst(%arg9 : memref<128x128xf32, #tpu.memory_space<vmem>>)
        "tpu.region"() ({
          %run_scoped3A = tpu.sem_alloc : memref<!tpu.dma_semaphore, #tpu.memory_space<semaphore_mem>>
          %dma_start3A_143 = arith.constant 0 : i32
          %dma_start3A_144 = tpu.memref_slice %arg8[%add3A_114, %dma_start3A_143] : memref<32x128xi32, #tpu.memory_space<vmem>> -> memref<1x128xi32, #tpu.memory_space<vmem>>
          %dma_start3A_145 = tpu.memref_squeeze %dma_start3A_144 : memref<1x128xi32, #tpu.memory_space<vmem>> -> memref<128xi32, #tpu.memory_space<vmem>>
          %dma_start3A_146 = arith.constant 0 : i32
          %dma_start3A_147 = arith.constant 0 : i32
          %dma_start3A_148 = tpu.memref_slice %arg11[%dma_start3A_146, %dma_start3A_147] : memref<10240x128xf32, #tpu.memory_space<vmem_shared>> -> memref<10240x128xf32, #tpu.memory_space<vmem_shared>>
          tpu.enqueue_indirect_dma source(%arg9 : memref<128x128xf32, #tpu.memory_space<vmem>>) target(%dma_start3A_148 : memref<10240x128xf32, #tpu.memory_space<vmem_shared>>) offsets(%dma_start3A_145 : memref<128xi32, #tpu.memory_space<vmem>>) semaphore(%run_scoped3A : memref<!tpu.dma_semaphore, #tpu.memory_space<semaphore_mem>>) {add = true}
          %dma_wait3A_149 = arith.constant 0 : i32
          %dma_wait3A_150 = tpu.memref_slice %arg8[%add3A_114, %dma_wait3A_149] : memref<32x128xi32, #tpu.memory_space<vmem>> -> memref<1x128xi32, #tpu.memory_space<vmem>>
          %dma_wait3A_151 = tpu.memref_squeeze %dma_wait3A_150 : memref<1x128xi32, #tpu.memory_space<vmem>> -> memref<128xi32, #tpu.memory_space<vmem>>
          %dma_wait3A_152 = arith.constant 0 : i32
          %dma_wait3A_153 = arith.constant 0 : i32
          %dma_wait3A_154 = tpu.memref_slice %arg11[%dma_wait3A_152, %dma_wait3A_153] : memref<10240x128xf32, #tpu.memory_space<vmem_shared>> -> memref<10240x128xf32, #tpu.memory_space<vmem_shared>>
          tpu.wait_indirect_dma semaphore(%run_scoped3A : memref<!tpu.dma_semaphore, #tpu.memory_space<semaphore_mem>>) src(%arg9 : memref<128x128xf32, #tpu.memory_space<vmem>>) dst(%dma_wait3A_154 : memref<10240x128xf32, #tpu.memory_space<vmem_shared>>)
          tpu.yield
        }) : () -> ()
        %add3A_120 = arith.constant 2 : i32
        %add3A_121 = arith.addi %add3A_114, %add3A_120 : i32
        %lt3A = arith.constant 32 : i32
        %lt3A_122 = arith.cmpi slt, %add3A_121, %lt3A : i32
        %convert_element_type3A_123 = arith.extui %lt3A_122 : i1 to i32
        %cond3A_124 = arith.constant 0 : i32
        %cond3A_125 = arith.cmpi ne, %convert_element_type3A_123, %cond3A_124 : i32
        scf.if %cond3A_125 {
          %add3A_143 = arith.constant 2 : i32
          %add3A_144 = arith.addi %add3A_114, %add3A_143 : i32
          %dma_start3A_145 = arith.constant 0 : i32
          %dma_start3A_146 = tpu.memref_slice %arg7[%add3A_144, %dma_start3A_145] : memref<32x128xi32, #tpu.memory_space<vmem>> -> memref<1x128xi32, #tpu.memory_space<vmem>>
          %dma_start3A_147 = tpu.memref_squeeze %dma_start3A_146 : memref<1x128xi32, #tpu.memory_space<vmem>> -> memref<128xi32, #tpu.memory_space<vmem>>
          %dma_start3A_148 = arith.constant 0 : i32
          %dma_start3A_149 = arith.constant 0 : i32
          %dma_start3A_150 = tpu.memref_slice %arg2[%dma_start3A_148, %dma_start3A_149] : memref<10240x128xf32, #tpu.memory_space<hbm>> -> memref<10240x128xf32, #tpu.memory_space<hbm>>
          tpu.enqueue_indirect_dma source(%dma_start3A_150 : memref<10240x128xf32, #tpu.memory_space<hbm>>) target(%arg9 : memref<128x128xf32, #tpu.memory_space<vmem>>) offsets(%dma_start3A_147 : memref<128xi32, #tpu.memory_space<vmem>>) semaphore(%arg12 : memref<!tpu.dma_semaphore, #tpu.memory_space<semaphore_mem>>)
        } else {
        }
        %add3A_126 = arith.constant 1 : i32
        %add3A_127 = arith.addi %add3A_114, %add3A_126 : i32
        %dma_wait3A_128 = arith.constant 0 : i32
        %dma_wait3A_129 = tpu.memref_slice %arg7[%add3A_127, %dma_wait3A_128] : memref<32x128xi32, #tpu.memory_space<vmem>> -> memref<1x128xi32, #tpu.memory_space<vmem>>
        %dma_wait3A_130 = tpu.memref_squeeze %dma_wait3A_129 : memref<1x128xi32, #tpu.memory_space<vmem>> -> memref<128xi32, #tpu.memory_space<vmem>>
        %dma_wait3A_131 = arith.constant 0 : i32
        %dma_wait3A_132 = arith.constant 0 : i32
        %dma_wait3A_133 = tpu.memref_slice %arg2[%dma_wait3A_131, %dma_wait3A_132] : memref<10240x128xf32, #tpu.memory_space<hbm>> -> memref<10240x128xf32, #tpu.memory_space<hbm>>
        tpu.wait_indirect_dma semaphore(%arg13 : memref<!tpu.dma_semaphore, #tpu.memory_space<semaphore_mem>>) src(%dma_wait3A_133 : memref<10240x128xf32, #tpu.memory_space<hbm>>) dst(%arg10 : memref<128x128xf32, #tpu.memory_space<vmem>>)
        %add3A_134 = arith.constant 1 : i32
        %add3A_135 = arith.addi %add3A_114, %add3A_134 : i32
        "tpu.region"() ({
          %run_scoped3A = tpu.sem_alloc : memref<!tpu.dma_semaphore, #tpu.memory_space<semaphore_mem>>
          %dma_start3A_143 = arith.constant 0 : i32
          %dma_start3A_144 = tpu.memref_slice %arg8[%add3A_135, %dma_start3A_143] : memref<32x128xi32, #tpu.memory_space<vmem>> -> memref<1x128xi32, #tpu.memory_space<vmem>>
          %dma_start3A_145 = tpu.memref_squeeze %dma_start3A_144 : memref<1x128xi32, #tpu.memory_space<vmem>> -> memref<128xi32, #tpu.memory_space<vmem>>
          %dma_start3A_146 = arith.constant 0 : i32
          %dma_start3A_147 = arith.constant 0 : i32
          %dma_start3A_148 = tpu.memref_slice %arg11[%dma_start3A_146, %dma_start3A_147] : memref<10240x128xf32, #tpu.memory_space<vmem_shared>> -> memref<10240x128xf32, #tpu.memory_space<vmem_shared>>
          tpu.enqueue_indirect_dma source(%arg10 : memref<128x128xf32, #tpu.memory_space<vmem>>) target(%dma_start3A_148 : memref<10240x128xf32, #tpu.memory_space<vmem_shared>>) offsets(%dma_start3A_145 : memref<128xi32, #tpu.memory_space<vmem>>) semaphore(%run_scoped3A : memref<!tpu.dma_semaphore, #tpu.memory_space<semaphore_mem>>) {add = true}
          %dma_wait3A_149 = arith.constant 0 : i32
          %dma_wait3A_150 = tpu.memref_slice %arg8[%add3A_135, %dma_wait3A_149] : memref<32x128xi32, #tpu.memory_space<vmem>> -> memref<1x128xi32, #tpu.memory_space<vmem>>
          %dma_wait3A_151 = tpu.memref_squeeze %dma_wait3A_150 : memref<1x128xi32, #tpu.memory_space<vmem>> -> memref<128xi32, #tpu.memory_space<vmem>>
          %dma_wait3A_152 = arith.constant 0 : i32
          %dma_wait3A_153 = arith.constant 0 : i32
          %dma_wait3A_154 = tpu.memref_slice %arg11[%dma_wait3A_152, %dma_wait3A_153] : memref<10240x128xf32, #tpu.memory_space<vmem_shared>> -> memref<10240x128xf32, #tpu.memory_space<vmem_shared>>
          tpu.wait_indirect_dma semaphore(%run_scoped3A : memref<!tpu.dma_semaphore, #tpu.memory_space<semaphore_mem>>) src(%arg10 : memref<128x128xf32, #tpu.memory_space<vmem>>) dst(%dma_wait3A_154 : memref<10240x128xf32, #tpu.memory_space<vmem_shared>>)
          tpu.yield
        }) : () -> ()
        %add3A_136 = arith.constant 3 : i32
        %add3A_137 = arith.addi %add3A_114, %add3A_136 : i32
        %lt3A_138 = arith.constant 32 : i32
        %lt3A_139 = arith.cmpi slt, %add3A_137, %lt3A_138 : i32
        %convert_element_type3A_140 = arith.extui %lt3A_139 : i1 to i32
        %cond3A_141 = arith.constant 0 : i32
        %cond3A_142 = arith.cmpi ne, %convert_element_type3A_140, %cond3A_141 : i32
        scf.if %cond3A_142 {
          %add3A_143 = arith.constant 3 : i32
          %add3A_144 = arith.addi %add3A_114, %add3A_143 : i32
          %dma_start3A_145 = arith.constant 0 : i32
          %dma_start3A_146 = tpu.memref_slice %arg7[%add3A_144, %dma_start3A_145] : memref<32x128xi32, #tpu.memory_space<vmem>> -> memref<1x128xi32, #tpu.memory_space<vmem>>
          %dma_start3A_147 = tpu.memref_squeeze %dma_start3A_146 : memref<1x128xi32, #tpu.memory_space<vmem>> -> memref<128xi32, #tpu.memory_space<vmem>>
          %dma_start3A_148 = arith.constant 0 : i32
          %dma_start3A_149 = arith.constant 0 : i32
          %dma_start3A_150 = tpu.memref_slice %arg2[%dma_start3A_148, %dma_start3A_149] : memref<10240x128xf32, #tpu.memory_space<hbm>> -> memref<10240x128xf32, #tpu.memory_space<hbm>>
          tpu.enqueue_indirect_dma source(%dma_start3A_150 : memref<10240x128xf32, #tpu.memory_space<hbm>>) target(%arg10 : memref<128x128xf32, #tpu.memory_space<vmem>>) offsets(%dma_start3A_147 : memref<128xi32, #tpu.memory_space<vmem>>) semaphore(%arg13 : memref<!tpu.dma_semaphore, #tpu.memory_space<semaphore_mem>>)
        } else {
        }
      }
      %scan3A_63 = arith.constant 16 : i32
      %mul3A_64 = arith.constant 128 : i32
      %mul3A_65 = arith.muli %arg1, %mul3A_64 : i32
      %add3A_66 = arith.constant 64 : i32
      %add3A_67 = arith.addi %mul3A_65, %add3A_66 : i32
      "tpu.region"() ({
        %run_scoped3A = tpu.sem_alloc : memref<!tpu.dma_semaphore, #tpu.memory_space<semaphore_mem>>
        %dma_start3A_110 = arith.constant 0 : i32
        %dma_start3A_111 = tpu.memref_slice %arg3[%add3A_67, %dma_start3A_110] : memref<2560x128xi32, #tpu.memory_space<hbm>> -> memref<32x128xi32, #tpu.memory_space<hbm>>
        %dma_start3A_112 = arith.constant 0 : i32
        %dma_start3A_113 = tpu.memref_slice %arg3[%add3A_67, %dma_start3A_112] : memref<2560x128xi32, #tpu.memory_space<hbm>> -> memref<32x128xi32, #tpu.memory_space<hbm>>
        tpu.enqueue_dma source(%dma_start3A_113 : memref<32x128xi32, #tpu.memory_space<hbm>>) target(%arg7 : memref<32x128xi32, #tpu.memory_space<vmem>>) target_semaphore(%run_scoped3A : memref<!tpu.dma_semaphore, #tpu.memory_space<semaphore_mem>>)
        %dma_wait3A = arith.constant 0 : i32
        %dma_wait3A_114 = tpu.memref_slice %arg3[%add3A_67, %dma_wait3A] : memref<2560x128xi32, #tpu.memory_space<hbm>> -> memref<32x128xi32, #tpu.memory_space<hbm>>
        %dma_wait3A_115 = arith.constant 0 : i32
        %dma_wait3A_116 = tpu.memref_slice %arg3[%add3A_67, %dma_wait3A_115] : memref<2560x128xi32, #tpu.memory_space<hbm>> -> memref<32x128xi32, #tpu.memory_space<hbm>>
        tpu.wait_dma2 semaphore(%run_scoped3A : memref<!tpu.dma_semaphore, #tpu.memory_space<semaphore_mem>>) src(%dma_wait3A_116 : memref<32x128xi32, #tpu.memory_space<hbm>>) dst(%arg7 : memref<32x128xi32, #tpu.memory_space<vmem>>)
        tpu.yield
      }) : () -> ()
      "tpu.region"() ({
        %run_scoped3A = tpu.sem_alloc : memref<!tpu.dma_semaphore, #tpu.memory_space<semaphore_mem>>
        %dma_start3A_110 = arith.constant 0 : i32
        %dma_start3A_111 = tpu.memref_slice %arg4[%add3A_67, %dma_start3A_110] : memref<2560x128xi32, #tpu.memory_space<hbm>> -> memref<32x128xi32, #tpu.memory_space<hbm>>
        %dma_start3A_112 = arith.constant 0 : i32
        %dma_start3A_113 = tpu.memref_slice %arg4[%add3A_67, %dma_start3A_112] : memref<2560x128xi32, #tpu.memory_space<hbm>> -> memref<32x128xi32, #tpu.memory_space<hbm>>
        tpu.enqueue_dma source(%dma_start3A_113 : memref<32x128xi32, #tpu.memory_space<hbm>>) target(%arg8 : memref<32x128xi32, #tpu.memory_space<vmem>>) target_semaphore(%run_scoped3A : memref<!tpu.dma_semaphore, #tpu.memory_space<semaphore_mem>>)
        %dma_wait3A = arith.constant 0 : i32
        %dma_wait3A_114 = tpu.memref_slice %arg4[%add3A_67, %dma_wait3A] : memref<2560x128xi32, #tpu.memory_space<hbm>> -> memref<32x128xi32, #tpu.memory_space<hbm>>
        %dma_wait3A_115 = arith.constant 0 : i32
        %dma_wait3A_116 = tpu.memref_slice %arg4[%add3A_67, %dma_wait3A_115] : memref<2560x128xi32, #tpu.memory_space<hbm>> -> memref<32x128xi32, #tpu.memory_space<hbm>>
        tpu.wait_dma2 semaphore(%run_scoped3A : memref<!tpu.dma_semaphore, #tpu.memory_space<semaphore_mem>>) src(%dma_wait3A_116 : memref<32x128xi32, #tpu.memory_space<hbm>>) dst(%arg8 : memref<32x128xi32, #tpu.memory_space<vmem>>)
        tpu.yield
      }) : () -> ()
      %dma_start3A_68 = arith.constant 0 : i32
      %dma_start3A_69 = arith.constant 0 : i32
      %dma_start3A_70 = tpu.memref_slice %arg7[%dma_start3A_68, %dma_start3A_69] : memref<32x128xi32, #tpu.memory_space<vmem>> -> memref<1x128xi32, #tpu.memory_space<vmem>>
      %dma_start3A_71 = tpu.memref_squeeze %dma_start3A_70 : memref<1x128xi32, #tpu.memory_space<vmem>> -> memref<128xi32, #tpu.memory_space<vmem>>
      %dma_start3A_72 = arith.constant 0 : i32
      %dma_start3A_73 = arith.constant 0 : i32
      %dma_start3A_74 = tpu.memref_slice %arg2[%dma_start3A_72, %dma_start3A_73] : memref<10240x128xf32, #tpu.memory_space<hbm>> -> memref<10240x128xf32, #tpu.memory_space<hbm>>
      tpu.enqueue_indirect_dma source(%dma_start3A_74 : memref<10240x128xf32, #tpu.memory_space<hbm>>) target(%arg9 : memref<128x128xf32, #tpu.memory_space<vmem>>) offsets(%dma_start3A_71 : memref<128xi32, #tpu.memory_space<vmem>>) semaphore(%arg12 : memref<!tpu.dma_semaphore, #tpu.memory_space<semaphore_mem>>)
      %dma_start3A_75 = arith.constant 1 : i32
      %dma_start3A_76 = arith.constant 0 : i32
      %dma_start3A_77 = tpu.memref_slice %arg7[%dma_start3A_75, %dma_start3A_76] : memref<32x128xi32, #tpu.memory_space<vmem>> -> memref<1x128xi32, #tpu.memory_space<vmem>>
      %dma_start3A_78 = tpu.memref_squeeze %dma_start3A_77 : memref<1x128xi32, #tpu.memory_space<vmem>> -> memref<128xi32, #tpu.memory_space<vmem>>
      %dma_start3A_79 = arith.constant 0 : i32
      %dma_start3A_80 = arith.constant 0 : i32
      %dma_start3A_81 = tpu.memref_slice %arg2[%dma_start3A_79, %dma_start3A_80] : memref<10240x128xf32, #tpu.memory_space<hbm>> -> memref<10240x128xf32, #tpu.memory_space<hbm>>
      tpu.enqueue_indirect_dma source(%dma_start3A_81 : memref<10240x128xf32, #tpu.memory_space<hbm>>) target(%arg10 : memref<128x128xf32, #tpu.memory_space<vmem>>) offsets(%dma_start3A_78 : memref<128xi32, #tpu.memory_space<vmem>>) semaphore(%arg13 : memref<!tpu.dma_semaphore, #tpu.memory_space<semaphore_mem>>)
      %scan3A_82 = arith.constant 0 : i32
      %scan3A_83 = arith.constant 16 : i32
      %scan3A_84 = arith.addi %scan3A_82, %scan3A_83 : i32
      %scan3A_85 = arith.constant 1 : i32
      scf.for %scan3A_110 = %scan3A_82 to %scan3A_84 step %scan3A_85  : i32 {
        %mul3A_111 = arith.constant 2 : i32
        %mul3A_112 = arith.muli %scan3A_110, %mul3A_111 : i32
        %add3A_113 = arith.constant 0 : i32
        %add3A_114 = arith.addi %add3A_113, %mul3A_112 : i32
        %dma_wait3A = arith.constant 0 : i32
        %dma_wait3A_115 = tpu.memref_slice %arg7[%add3A_114, %dma_wait3A] : memref<32x128xi32, #tpu.memory_space<vmem>> -> memref<1x128xi32, #tpu.memory_space<vmem>>
        %dma_wait3A_116 = tpu.memref_squeeze %dma_wait3A_115 : memref<1x128xi32, #tpu.memory_space<vmem>> -> memref<128xi32, #tpu.memory_space<vmem>>
        %dma_wait3A_117 = arith.constant 0 : i32
        %dma_wait3A_118 = arith.constant 0 : i32
        %dma_wait3A_119 = tpu.memref_slice %arg2[%dma_wait3A_117, %dma_wait3A_118] : memref<10240x128xf32, #tpu.memory_space<hbm>> -> memref<10240x128xf32, #tpu.memory_space<hbm>>
        tpu.wait_indirect_dma semaphore(%arg12 : memref<!tpu.dma_semaphore, #tpu.memory_space<semaphore_mem>>) src(%dma_wait3A_119 : memref<10240x128xf32, #tpu.memory_space<hbm>>) dst(%arg9 : memref<128x128xf32, #tpu.memory_space<vmem>>)
        "tpu.region"() ({
          %run_scoped3A = tpu.sem_alloc : memref<!tpu.dma_semaphore, #tpu.memory_space<semaphore_mem>>
          %dma_start3A_143 = arith.constant 0 : i32
          %dma_start3A_144 = tpu.memref_slice %arg8[%add3A_114, %dma_start3A_143] : memref<32x128xi32, #tpu.memory_space<vmem>> -> memref<1x128xi32, #tpu.memory_space<vmem>>
          %dma_start3A_145 = tpu.memref_squeeze %dma_start3A_144 : memref<1x128xi32, #tpu.memory_space<vmem>> -> memref<128xi32, #tpu.memory_space<vmem>>
          %dma_start3A_146 = arith.constant 0 : i32
          %dma_start3A_147 = arith.constant 0 : i32
          %dma_start3A_148 = tpu.memref_slice %arg11[%dma_start3A_146, %dma_start3A_147] : memref<10240x128xf32, #tpu.memory_space<vmem_shared>> -> memref<10240x128xf32, #tpu.memory_space<vmem_shared>>
          tpu.enqueue_indirect_dma source(%arg9 : memref<128x128xf32, #tpu.memory_space<vmem>>) target(%dma_start3A_148 : memref<10240x128xf32, #tpu.memory_space<vmem_shared>>) offsets(%dma_start3A_145 : memref<128xi32, #tpu.memory_space<vmem>>) semaphore(%run_scoped3A : memref<!tpu.dma_semaphore, #tpu.memory_space<semaphore_mem>>) {add = true}
          %dma_wait3A_149 = arith.constant 0 : i32
          %dma_wait3A_150 = tpu.memref_slice %arg8[%add3A_114, %dma_wait3A_149] : memref<32x128xi32, #tpu.memory_space<vmem>> -> memref<1x128xi32, #tpu.memory_space<vmem>>
          %dma_wait3A_151 = tpu.memref_squeeze %dma_wait3A_150 : memref<1x128xi32, #tpu.memory_space<vmem>> -> memref<128xi32, #tpu.memory_space<vmem>>
          %dma_wait3A_152 = arith.constant 0 : i32
          %dma_wait3A_153 = arith.constant 0 : i32
          %dma_wait3A_154 = tpu.memref_slice %arg11[%dma_wait3A_152, %dma_wait3A_153] : memref<10240x128xf32, #tpu.memory_space<vmem_shared>> -> memref<10240x128xf32, #tpu.memory_space<vmem_shared>>
          tpu.wait_indirect_dma semaphore(%run_scoped3A : memref<!tpu.dma_semaphore, #tpu.memory_space<semaphore_mem>>) src(%arg9 : memref<128x128xf32, #tpu.memory_space<vmem>>) dst(%dma_wait3A_154 : memref<10240x128xf32, #tpu.memory_space<vmem_shared>>)
          tpu.yield
        }) : () -> ()
        %add3A_120 = arith.constant 2 : i32
        %add3A_121 = arith.addi %add3A_114, %add3A_120 : i32
        %lt3A = arith.constant 32 : i32
        %lt3A_122 = arith.cmpi slt, %add3A_121, %lt3A : i32
        %convert_element_type3A_123 = arith.extui %lt3A_122 : i1 to i32
        %cond3A_124 = arith.constant 0 : i32
        %cond3A_125 = arith.cmpi ne, %convert_element_type3A_123, %cond3A_124 : i32
        scf.if %cond3A_125 {
          %add3A_143 = arith.constant 2 : i32
          %add3A_144 = arith.addi %add3A_114, %add3A_143 : i32
          %dma_start3A_145 = arith.constant 0 : i32
          %dma_start3A_146 = tpu.memref_slice %arg7[%add3A_144, %dma_start3A_145] : memref<32x128xi32, #tpu.memory_space<vmem>> -> memref<1x128xi32, #tpu.memory_space<vmem>>
          %dma_start3A_147 = tpu.memref_squeeze %dma_start3A_146 : memref<1x128xi32, #tpu.memory_space<vmem>> -> memref<128xi32, #tpu.memory_space<vmem>>
          %dma_start3A_148 = arith.constant 0 : i32
          %dma_start3A_149 = arith.constant 0 : i32
          %dma_start3A_150 = tpu.memref_slice %arg2[%dma_start3A_148, %dma_start3A_149] : memref<10240x128xf32, #tpu.memory_space<hbm>> -> memref<10240x128xf32, #tpu.memory_space<hbm>>
          tpu.enqueue_indirect_dma source(%dma_start3A_150 : memref<10240x128xf32, #tpu.memory_space<hbm>>) target(%arg9 : memref<128x128xf32, #tpu.memory_space<vmem>>) offsets(%dma_start3A_147 : memref<128xi32, #tpu.memory_space<vmem>>) semaphore(%arg12 : memref<!tpu.dma_semaphore, #tpu.memory_space<semaphore_mem>>)
        } else {
        }
        %add3A_126 = arith.constant 1 : i32
        %add3A_127 = arith.addi %add3A_114, %add3A_126 : i32
        %dma_wait3A_128 = arith.constant 0 : i32
        %dma_wait3A_129 = tpu.memref_slice %arg7[%add3A_127, %dma_wait3A_128] : memref<32x128xi32, #tpu.memory_space<vmem>> -> memref<1x128xi32, #tpu.memory_space<vmem>>
        %dma_wait3A_130 = tpu.memref_squeeze %dma_wait3A_129 : memref<1x128xi32, #tpu.memory_space<vmem>> -> memref<128xi32, #tpu.memory_space<vmem>>
        %dma_wait3A_131 = arith.constant 0 : i32
        %dma_wait3A_132 = arith.constant 0 : i32
        %dma_wait3A_133 = tpu.memref_slice %arg2[%dma_wait3A_131, %dma_wait3A_132] : memref<10240x128xf32, #tpu.memory_space<hbm>> -> memref<10240x128xf32, #tpu.memory_space<hbm>>
        tpu.wait_indirect_dma semaphore(%arg13 : memref<!tpu.dma_semaphore, #tpu.memory_space<semaphore_mem>>) src(%dma_wait3A_133 : memref<10240x128xf32, #tpu.memory_space<hbm>>) dst(%arg10 : memref<128x128xf32, #tpu.memory_space<vmem>>)
        %add3A_134 = arith.constant 1 : i32
        %add3A_135 = arith.addi %add3A_114, %add3A_134 : i32
        "tpu.region"() ({
          %run_scoped3A = tpu.sem_alloc : memref<!tpu.dma_semaphore, #tpu.memory_space<semaphore_mem>>
          %dma_start3A_143 = arith.constant 0 : i32
          %dma_start3A_144 = tpu.memref_slice %arg8[%add3A_135, %dma_start3A_143] : memref<32x128xi32, #tpu.memory_space<vmem>> -> memref<1x128xi32, #tpu.memory_space<vmem>>
          %dma_start3A_145 = tpu.memref_squeeze %dma_start3A_144 : memref<1x128xi32, #tpu.memory_space<vmem>> -> memref<128xi32, #tpu.memory_space<vmem>>
          %dma_start3A_146 = arith.constant 0 : i32
          %dma_start3A_147 = arith.constant 0 : i32
          %dma_start3A_148 = tpu.memref_slice %arg11[%dma_start3A_146, %dma_start3A_147] : memref<10240x128xf32, #tpu.memory_space<vmem_shared>> -> memref<10240x128xf32, #tpu.memory_space<vmem_shared>>
          tpu.enqueue_indirect_dma source(%arg10 : memref<128x128xf32, #tpu.memory_space<vmem>>) target(%dma_start3A_148 : memref<10240x128xf32, #tpu.memory_space<vmem_shared>>) offsets(%dma_start3A_145 : memref<128xi32, #tpu.memory_space<vmem>>) semaphore(%run_scoped3A : memref<!tpu.dma_semaphore, #tpu.memory_space<semaphore_mem>>) {add = true}
          %dma_wait3A_149 = arith.constant 0 : i32
          %dma_wait3A_150 = tpu.memref_slice %arg8[%add3A_135, %dma_wait3A_149] : memref<32x128xi32, #tpu.memory_space<vmem>> -> memref<1x128xi32, #tpu.memory_space<vmem>>
          %dma_wait3A_151 = tpu.memref_squeeze %dma_wait3A_150 : memref<1x128xi32, #tpu.memory_space<vmem>> -> memref<128xi32, #tpu.memory_space<vmem>>
          %dma_wait3A_152 = arith.constant 0 : i32
          %dma_wait3A_153 = arith.constant 0 : i32
          %dma_wait3A_154 = tpu.memref_slice %arg11[%dma_wait3A_152, %dma_wait3A_153] : memref<10240x128xf32, #tpu.memory_space<vmem_shared>> -> memref<10240x128xf32, #tpu.memory_space<vmem_shared>>
          tpu.wait_indirect_dma semaphore(%run_scoped3A : memref<!tpu.dma_semaphore, #tpu.memory_space<semaphore_mem>>) src(%arg10 : memref<128x128xf32, #tpu.memory_space<vmem>>) dst(%dma_wait3A_154 : memref<10240x128xf32, #tpu.memory_space<vmem_shared>>)
          tpu.yield
        }) : () -> ()
        %add3A_136 = arith.constant 3 : i32
        %add3A_137 = arith.addi %add3A_114, %add3A_136 : i32
        %lt3A_138 = arith.constant 32 : i32
        %lt3A_139 = arith.cmpi slt, %add3A_137, %lt3A_138 : i32
        %convert_element_type3A_140 = arith.extui %lt3A_139 : i1 to i32
        %cond3A_141 = arith.constant 0 : i32
        %cond3A_142 = arith.cmpi ne, %convert_element_type3A_140, %cond3A_141 : i32
        scf.if %cond3A_142 {
          %add3A_143 = arith.constant 3 : i32
          %add3A_144 = arith.addi %add3A_114, %add3A_143 : i32
          %dma_start3A_145 = arith.constant 0 : i32
          %dma_start3A_146 = tpu.memref_slice %arg7[%add3A_144, %dma_start3A_145] : memref<32x128xi32, #tpu.memory_space<vmem>> -> memref<1x128xi32, #tpu.memory_space<vmem>>
          %dma_start3A_147 = tpu.memref_squeeze %dma_start3A_146 : memref<1x128xi32, #tpu.memory_space<vmem>> -> memref<128xi32, #tpu.memory_space<vmem>>
          %dma_start3A_148 = arith.constant 0 : i32
          %dma_start3A_149 = arith.constant 0 : i32
          %dma_start3A_150 = tpu.memref_slice %arg2[%dma_start3A_148, %dma_start3A_149] : memref<10240x128xf32, #tpu.memory_space<hbm>> -> memref<10240x128xf32, #tpu.memory_space<hbm>>
          tpu.enqueue_indirect_dma source(%dma_start3A_150 : memref<10240x128xf32, #tpu.memory_space<hbm>>) target(%arg10 : memref<128x128xf32, #tpu.memory_space<vmem>>) offsets(%dma_start3A_147 : memref<128xi32, #tpu.memory_space<vmem>>) semaphore(%arg13 : memref<!tpu.dma_semaphore, #tpu.memory_space<semaphore_mem>>)
        } else {
        }
      }
      %scan3A_86 = arith.constant 16 : i32
      %mul3A_87 = arith.constant 128 : i32
      %mul3A_88 = arith.muli %arg1, %mul3A_87 : i32
      %add3A_89 = arith.constant 96 : i32
      %add3A_90 = arith.addi %mul3A_88, %add3A_89 : i32
      "tpu.region"() ({
        %run_scoped3A = tpu.sem_alloc : memref<!tpu.dma_semaphore, #tpu.memory_space<semaphore_mem>>
        %dma_start3A_110 = arith.constant 0 : i32
        %dma_start3A_111 = tpu.memref_slice %arg3[%add3A_90, %dma_start3A_110] : memref<2560x128xi32, #tpu.memory_space<hbm>> -> memref<32x128xi32, #tpu.memory_space<hbm>>
        %dma_start3A_112 = arith.constant 0 : i32
        %dma_start3A_113 = tpu.memref_slice %arg3[%add3A_90, %dma_start3A_112] : memref<2560x128xi32, #tpu.memory_space<hbm>> -> memref<32x128xi32, #tpu.memory_space<hbm>>
        tpu.enqueue_dma source(%dma_start3A_113 : memref<32x128xi32, #tpu.memory_space<hbm>>) target(%arg7 : memref<32x128xi32, #tpu.memory_space<vmem>>) target_semaphore(%run_scoped3A : memref<!tpu.dma_semaphore, #tpu.memory_space<semaphore_mem>>)
        %dma_wait3A = arith.constant 0 : i32
        %dma_wait3A_114 = tpu.memref_slice %arg3[%add3A_90, %dma_wait3A] : memref<2560x128xi32, #tpu.memory_space<hbm>> -> memref<32x128xi32, #tpu.memory_space<hbm>>
        %dma_wait3A_115 = arith.constant 0 : i32
        %dma_wait3A_116 = tpu.memref_slice %arg3[%add3A_90, %dma_wait3A_115] : memref<2560x128xi32, #tpu.memory_space<hbm>> -> memref<32x128xi32, #tpu.memory_space<hbm>>
        tpu.wait_dma2 semaphore(%run_scoped3A : memref<!tpu.dma_semaphore, #tpu.memory_space<semaphore_mem>>) src(%dma_wait3A_116 : memref<32x128xi32, #tpu.memory_space<hbm>>) dst(%arg7 : memref<32x128xi32, #tpu.memory_space<vmem>>)
        tpu.yield
      }) : () -> ()
      "tpu.region"() ({
        %run_scoped3A = tpu.sem_alloc : memref<!tpu.dma_semaphore, #tpu.memory_space<semaphore_mem>>
        %dma_start3A_110 = arith.constant 0 : i32
        %dma_start3A_111 = tpu.memref_slice %arg4[%add3A_90, %dma_start3A_110] : memref<2560x128xi32, #tpu.memory_space<hbm>> -> memref<32x128xi32, #tpu.memory_space<hbm>>
        %dma_start3A_112 = arith.constant 0 : i32
        %dma_start3A_113 = tpu.memref_slice %arg4[%add3A_90, %dma_start3A_112] : memref<2560x128xi32, #tpu.memory_space<hbm>> -> memref<32x128xi32, #tpu.memory_space<hbm>>
        tpu.enqueue_dma source(%dma_start3A_113 : memref<32x128xi32, #tpu.memory_space<hbm>>) target(%arg8 : memref<32x128xi32, #tpu.memory_space<vmem>>) target_semaphore(%run_scoped3A : memref<!tpu.dma_semaphore, #tpu.memory_space<semaphore_mem>>)
        %dma_wait3A = arith.constant 0 : i32
        %dma_wait3A_114 = tpu.memref_slice %arg4[%add3A_90, %dma_wait3A] : memref<2560x128xi32, #tpu.memory_space<hbm>> -> memref<32x128xi32, #tpu.memory_space<hbm>>
        %dma_wait3A_115 = arith.constant 0 : i32
        %dma_wait3A_116 = tpu.memref_slice %arg4[%add3A_90, %dma_wait3A_115] : memref<2560x128xi32, #tpu.memory_space<hbm>> -> memref<32x128xi32, #tpu.memory_space<hbm>>
        tpu.wait_dma2 semaphore(%run_scoped3A : memref<!tpu.dma_semaphore, #tpu.memory_space<semaphore_mem>>) src(%dma_wait3A_116 : memref<32x128xi32, #tpu.memory_space<hbm>>) dst(%arg8 : memref<32x128xi32, #tpu.memory_space<vmem>>)
        tpu.yield
      }) : () -> ()
      %dma_start3A_91 = arith.constant 0 : i32
      %dma_start3A_92 = arith.constant 0 : i32
      %dma_start3A_93 = tpu.memref_slice %arg7[%dma_start3A_91, %dma_start3A_92] : memref<32x128xi32, #tpu.memory_space<vmem>> -> memref<1x128xi32, #tpu.memory_space<vmem>>
      %dma_start3A_94 = tpu.memref_squeeze %dma_start3A_93 : memref<1x128xi32, #tpu.memory_space<vmem>> -> memref<128xi32, #tpu.memory_space<vmem>>
      %dma_start3A_95 = arith.constant 0 : i32
      %dma_start3A_96 = arith.constant 0 : i32
      %dma_start3A_97 = tpu.memref_slice %arg2[%dma_start3A_95, %dma_start3A_96] : memref<10240x128xf32, #tpu.memory_space<hbm>> -> memref<10240x128xf32, #tpu.memory_space<hbm>>
      tpu.enqueue_indirect_dma source(%dma_start3A_97 : memref<10240x128xf32, #tpu.memory_space<hbm>>) target(%arg9 : memref<128x128xf32, #tpu.memory_space<vmem>>) offsets(%dma_start3A_94 : memref<128xi32, #tpu.memory_space<vmem>>) semaphore(%arg12 : memref<!tpu.dma_semaphore, #tpu.memory_space<semaphore_mem>>)
      %dma_start3A_98 = arith.constant 1 : i32
      %dma_start3A_99 = arith.constant 0 : i32
      %dma_start3A_100 = tpu.memref_slice %arg7[%dma_start3A_98, %dma_start3A_99] : memref<32x128xi32, #tpu.memory_space<vmem>> -> memref<1x128xi32, #tpu.memory_space<vmem>>
      %dma_start3A_101 = tpu.memref_squeeze %dma_start3A_100 : memref<1x128xi32, #tpu.memory_space<vmem>> -> memref<128xi32, #tpu.memory_space<vmem>>
      %dma_start3A_102 = arith.constant 0 : i32
      %dma_start3A_103 = arith.constant 0 : i32
      %dma_start3A_104 = tpu.memref_slice %arg2[%dma_start3A_102, %dma_start3A_103] : memref<10240x128xf32, #tpu.memory_space<hbm>> -> memref<10240x128xf32, #tpu.memory_space<hbm>>
      tpu.enqueue_indirect_dma source(%dma_start3A_104 : memref<10240x128xf32, #tpu.memory_space<hbm>>) target(%arg10 : memref<128x128xf32, #tpu.memory_space<vmem>>) offsets(%dma_start3A_101 : memref<128xi32, #tpu.memory_space<vmem>>) semaphore(%arg13 : memref<!tpu.dma_semaphore, #tpu.memory_space<semaphore_mem>>)
      %scan3A_105 = arith.constant 0 : i32
      %scan3A_106 = arith.constant 16 : i32
      %scan3A_107 = arith.addi %scan3A_105, %scan3A_106 : i32
      %scan3A_108 = arith.constant 1 : i32
      scf.for %scan3A_110 = %scan3A_105 to %scan3A_107 step %scan3A_108  : i32 {
        %mul3A_111 = arith.constant 2 : i32
        %mul3A_112 = arith.muli %scan3A_110, %mul3A_111 : i32
        %add3A_113 = arith.constant 0 : i32
        %add3A_114 = arith.addi %add3A_113, %mul3A_112 : i32
        %dma_wait3A = arith.constant 0 : i32
        %dma_wait3A_115 = tpu.memref_slice %arg7[%add3A_114, %dma_wait3A] : memref<32x128xi32, #tpu.memory_space<vmem>> -> memref<1x128xi32, #tpu.memory_space<vmem>>
        %dma_wait3A_116 = tpu.memref_squeeze %dma_wait3A_115 : memref<1x128xi32, #tpu.memory_space<vmem>> -> memref<128xi32, #tpu.memory_space<vmem>>
        %dma_wait3A_117 = arith.constant 0 : i32
        %dma_wait3A_118 = arith.constant 0 : i32
        %dma_wait3A_119 = tpu.memref_slice %arg2[%dma_wait3A_117, %dma_wait3A_118] : memref<10240x128xf32, #tpu.memory_space<hbm>> -> memref<10240x128xf32, #tpu.memory_space<hbm>>
        tpu.wait_indirect_dma semaphore(%arg12 : memref<!tpu.dma_semaphore, #tpu.memory_space<semaphore_mem>>) src(%dma_wait3A_119 : memref<10240x128xf32, #tpu.memory_space<hbm>>) dst(%arg9 : memref<128x128xf32, #tpu.memory_space<vmem>>)
        "tpu.region"() ({
          %run_scoped3A = tpu.sem_alloc : memref<!tpu.dma_semaphore, #tpu.memory_space<semaphore_mem>>
          %dma_start3A_143 = arith.constant 0 : i32
          %dma_start3A_144 = tpu.memref_slice %arg8[%add3A_114, %dma_start3A_143] : memref<32x128xi32, #tpu.memory_space<vmem>> -> memref<1x128xi32, #tpu.memory_space<vmem>>
          %dma_start3A_145 = tpu.memref_squeeze %dma_start3A_144 : memref<1x128xi32, #tpu.memory_space<vmem>> -> memref<128xi32, #tpu.memory_space<vmem>>
          %dma_start3A_146 = arith.constant 0 : i32
          %dma_start3A_147 = arith.constant 0 : i32
          %dma_start3A_148 = tpu.memref_slice %arg11[%dma_start3A_146, %dma_start3A_147] : memref<10240x128xf32, #tpu.memory_space<vmem_shared>> -> memref<10240x128xf32, #tpu.memory_space<vmem_shared>>
          tpu.enqueue_indirect_dma source(%arg9 : memref<128x128xf32, #tpu.memory_space<vmem>>) target(%dma_start3A_148 : memref<10240x128xf32, #tpu.memory_space<vmem_shared>>) offsets(%dma_start3A_145 : memref<128xi32, #tpu.memory_space<vmem>>) semaphore(%run_scoped3A : memref<!tpu.dma_semaphore, #tpu.memory_space<semaphore_mem>>) {add = true}
          %dma_wait3A_149 = arith.constant 0 : i32
          %dma_wait3A_150 = tpu.memref_slice %arg8[%add3A_114, %dma_wait3A_149] : memref<32x128xi32, #tpu.memory_space<vmem>> -> memref<1x128xi32, #tpu.memory_space<vmem>>
          %dma_wait3A_151 = tpu.memref_squeeze %dma_wait3A_150 : memref<1x128xi32, #tpu.memory_space<vmem>> -> memref<128xi32, #tpu.memory_space<vmem>>
          %dma_wait3A_152 = arith.constant 0 : i32
          %dma_wait3A_153 = arith.constant 0 : i32
          %dma_wait3A_154 = tpu.memref_slice %arg11[%dma_wait3A_152, %dma_wait3A_153] : memref<10240x128xf32, #tpu.memory_space<vmem_shared>> -> memref<10240x128xf32, #tpu.memory_space<vmem_shared>>
          tpu.wait_indirect_dma semaphore(%run_scoped3A : memref<!tpu.dma_semaphore, #tpu.memory_space<semaphore_mem>>) src(%arg9 : memref<128x128xf32, #tpu.memory_space<vmem>>) dst(%dma_wait3A_154 : memref<10240x128xf32, #tpu.memory_space<vmem_shared>>)
          tpu.yield
        }) : () -> ()
        %add3A_120 = arith.constant 2 : i32
        %add3A_121 = arith.addi %add3A_114, %add3A_120 : i32
        %lt3A = arith.constant 32 : i32
        %lt3A_122 = arith.cmpi slt, %add3A_121, %lt3A : i32
        %convert_element_type3A_123 = arith.extui %lt3A_122 : i1 to i32
        %cond3A_124 = arith.constant 0 : i32
        %cond3A_125 = arith.cmpi ne, %convert_element_type3A_123, %cond3A_124 : i32
        scf.if %cond3A_125 {
          %add3A_143 = arith.constant 2 : i32
          %add3A_144 = arith.addi %add3A_114, %add3A_143 : i32
          %dma_start3A_145 = arith.constant 0 : i32
          %dma_start3A_146 = tpu.memref_slice %arg7[%add3A_144, %dma_start3A_145] : memref<32x128xi32, #tpu.memory_space<vmem>> -> memref<1x128xi32, #tpu.memory_space<vmem>>
          %dma_start3A_147 = tpu.memref_squeeze %dma_start3A_146 : memref<1x128xi32, #tpu.memory_space<vmem>> -> memref<128xi32, #tpu.memory_space<vmem>>
          %dma_start3A_148 = arith.constant 0 : i32
          %dma_start3A_149 = arith.constant 0 : i32
          %dma_start3A_150 = tpu.memref_slice %arg2[%dma_start3A_148, %dma_start3A_149] : memref<10240x128xf32, #tpu.memory_space<hbm>> -> memref<10240x128xf32, #tpu.memory_space<hbm>>
          tpu.enqueue_indirect_dma source(%dma_start3A_150 : memref<10240x128xf32, #tpu.memory_space<hbm>>) target(%arg9 : memref<128x128xf32, #tpu.memory_space<vmem>>) offsets(%dma_start3A_147 : memref<128xi32, #tpu.memory_space<vmem>>) semaphore(%arg12 : memref<!tpu.dma_semaphore, #tpu.memory_space<semaphore_mem>>)
        } else {
        }
        %add3A_126 = arith.constant 1 : i32
        %add3A_127 = arith.addi %add3A_114, %add3A_126 : i32
        %dma_wait3A_128 = arith.constant 0 : i32
        %dma_wait3A_129 = tpu.memref_slice %arg7[%add3A_127, %dma_wait3A_128] : memref<32x128xi32, #tpu.memory_space<vmem>> -> memref<1x128xi32, #tpu.memory_space<vmem>>
        %dma_wait3A_130 = tpu.memref_squeeze %dma_wait3A_129 : memref<1x128xi32, #tpu.memory_space<vmem>> -> memref<128xi32, #tpu.memory_space<vmem>>
        %dma_wait3A_131 = arith.constant 0 : i32
        %dma_wait3A_132 = arith.constant 0 : i32
        %dma_wait3A_133 = tpu.memref_slice %arg2[%dma_wait3A_131, %dma_wait3A_132] : memref<10240x128xf32, #tpu.memory_space<hbm>> -> memref<10240x128xf32, #tpu.memory_space<hbm>>
        tpu.wait_indirect_dma semaphore(%arg13 : memref<!tpu.dma_semaphore, #tpu.memory_space<semaphore_mem>>) src(%dma_wait3A_133 : memref<10240x128xf32, #tpu.memory_space<hbm>>) dst(%arg10 : memref<128x128xf32, #tpu.memory_space<vmem>>)
        %add3A_134 = arith.constant 1 : i32
        %add3A_135 = arith.addi %add3A_114, %add3A_134 : i32
        "tpu.region"() ({
          %run_scoped3A = tpu.sem_alloc : memref<!tpu.dma_semaphore, #tpu.memory_space<semaphore_mem>>
          %dma_start3A_143 = arith.constant 0 : i32
          %dma_start3A_144 = tpu.memref_slice %arg8[%add3A_135, %dma_start3A_143] : memref<32x128xi32, #tpu.memory_space<vmem>> -> memref<1x128xi32, #tpu.memory_space<vmem>>
          %dma_start3A_145 = tpu.memref_squeeze %dma_start3A_144 : memref<1x128xi32, #tpu.memory_space<vmem>> -> memref<128xi32, #tpu.memory_space<vmem>>
          %dma_start3A_146 = arith.constant 0 : i32
          %dma_start3A_147 = arith.constant 0 : i32
          %dma_start3A_148 = tpu.memref_slice %arg11[%dma_start3A_146, %dma_start3A_147] : memref<10240x128xf32, #tpu.memory_space<vmem_shared>> -> memref<10240x128xf32, #tpu.memory_space<vmem_shared>>
          tpu.enqueue_indirect_dma source(%arg10 : memref<128x128xf32, #tpu.memory_space<vmem>>) target(%dma_start3A_148 : memref<10240x128xf32, #tpu.memory_space<vmem_shared>>) offsets(%dma_start3A_145 : memref<128xi32, #tpu.memory_space<vmem>>) semaphore(%run_scoped3A : memref<!tpu.dma_semaphore, #tpu.memory_space<semaphore_mem>>) {add = true}
          %dma_wait3A_149 = arith.constant 0 : i32
          %dma_wait3A_150 = tpu.memref_slice %arg8[%add3A_135, %dma_wait3A_149] : memref<32x128xi32, #tpu.memory_space<vmem>> -> memref<1x128xi32, #tpu.memory_space<vmem>>
          %dma_wait3A_151 = tpu.memref_squeeze %dma_wait3A_150 : memref<1x128xi32, #tpu.memory_space<vmem>> -> memref<128xi32, #tpu.memory_space<vmem>>
          %dma_wait3A_152 = arith.constant 0 : i32
          %dma_wait3A_153 = arith.constant 0 : i32
          %dma_wait3A_154 = tpu.memref_slice %arg11[%dma_wait3A_152, %dma_wait3A_153] : memref<10240x128xf32, #tpu.memory_space<vmem_shared>> -> memref<10240x128xf32, #tpu.memory_space<vmem_shared>>
          tpu.wait_indirect_dma semaphore(%run_scoped3A : memref<!tpu.dma_semaphore, #tpu.memory_space<semaphore_mem>>) src(%arg10 : memref<128x128xf32, #tpu.memory_space<vmem>>) dst(%dma_wait3A_154 : memref<10240x128xf32, #tpu.memory_space<vmem_shared>>)
          tpu.yield
        }) : () -> ()
        %add3A_136 = arith.constant 3 : i32
        %add3A_137 = arith.addi %add3A_114, %add3A_136 : i32
        %lt3A_138 = arith.constant 32 : i32
        %lt3A_139 = arith.cmpi slt, %add3A_137, %lt3A_138 : i32
        %convert_element_type3A_140 = arith.extui %lt3A_139 : i1 to i32
        %cond3A_141 = arith.constant 0 : i32
        %cond3A_142 = arith.cmpi ne, %convert_element_type3A_140, %cond3A_141 : i32
        scf.if %cond3A_142 {
          %add3A_143 = arith.constant 3 : i32
          %add3A_144 = arith.addi %add3A_114, %add3A_143 : i32
          %dma_start3A_145 = arith.constant 0 : i32
          %dma_start3A_146 = tpu.memref_slice %arg7[%add3A_144, %dma_start3A_145] : memref<32x128xi32, #tpu.memory_space<vmem>> -> memref<1x128xi32, #tpu.memory_space<vmem>>
          %dma_start3A_147 = tpu.memref_squeeze %dma_start3A_146 : memref<1x128xi32, #tpu.memory_space<vmem>> -> memref<128xi32, #tpu.memory_space<vmem>>
          %dma_start3A_148 = arith.constant 0 : i32
          %dma_start3A_149 = arith.constant 0 : i32
          %dma_start3A_150 = tpu.memref_slice %arg2[%dma_start3A_148, %dma_start3A_149] : memref<10240x128xf32, #tpu.memory_space<hbm>> -> memref<10240x128xf32, #tpu.memory_space<hbm>>
          tpu.enqueue_indirect_dma source(%dma_start3A_150 : memref<10240x128xf32, #tpu.memory_space<hbm>>) target(%arg10 : memref<128x128xf32, #tpu.memory_space<vmem>>) offsets(%dma_start3A_147 : memref<128xi32, #tpu.memory_space<vmem>>) semaphore(%arg13 : memref<!tpu.dma_semaphore, #tpu.memory_space<semaphore_mem>>)
        } else {
        }
      }
      %scan3A_109 = arith.constant 16 : i32
    } else {
    }
    %eq3A_5 = arith.constant 1 : i32
    %eq3A_6 = arith.cmpi eq, %arg0, %eq3A_5 : i32
    %convert_element_type3A_7 = arith.extui %eq3A_6 : i1 to i32
    %cond3A_8 = arith.constant 0 : i32
    %cond3A_9 = arith.cmpi ne, %convert_element_type3A_7, %cond3A_8 : i32
    scf.if %cond3A_9 {
      %mul3A_21 = arith.constant 32 : i32
      %mul3A_22 = arith.muli %arg1, %mul3A_21 : i32
      %add3A = arith.constant 2048 : i32
      %add3A_23 = arith.addi %add3A, %mul3A_22 : i32
      %add3A_24 = arith.constant 0 : i32
      %add3A_25 = arith.addi %add3A_23, %add3A_24 : i32
      "tpu.region"() ({
        %run_scoped3A = tpu.sem_alloc : memref<!tpu.dma_semaphore, #tpu.memory_space<semaphore_mem>>
        %dma_start3A_43 = arith.constant 0 : i32
        %dma_start3A_44 = tpu.memref_slice %arg3[%add3A_25, %dma_start3A_43] : memref<2560x128xi32, #tpu.memory_space<hbm>> -> memref<32x128xi32, #tpu.memory_space<hbm>>
        %dma_start3A_45 = arith.constant 0 : i32
        %dma_start3A_46 = tpu.memref_slice %arg3[%add3A_25, %dma_start3A_45] : memref<2560x128xi32, #tpu.memory_space<hbm>> -> memref<32x128xi32, #tpu.memory_space<hbm>>
        tpu.enqueue_dma source(%dma_start3A_46 : memref<32x128xi32, #tpu.memory_space<hbm>>) target(%arg7 : memref<32x128xi32, #tpu.memory_space<vmem>>) target_semaphore(%run_scoped3A : memref<!tpu.dma_semaphore, #tpu.memory_space<semaphore_mem>>)
        %dma_wait3A = arith.constant 0 : i32
        %dma_wait3A_47 = tpu.memref_slice %arg3[%add3A_25, %dma_wait3A] : memref<2560x128xi32, #tpu.memory_space<hbm>> -> memref<32x128xi32, #tpu.memory_space<hbm>>
        %dma_wait3A_48 = arith.constant 0 : i32
        %dma_wait3A_49 = tpu.memref_slice %arg3[%add3A_25, %dma_wait3A_48] : memref<2560x128xi32, #tpu.memory_space<hbm>> -> memref<32x128xi32, #tpu.memory_space<hbm>>
        tpu.wait_dma2 semaphore(%run_scoped3A : memref<!tpu.dma_semaphore, #tpu.memory_space<semaphore_mem>>) src(%dma_wait3A_49 : memref<32x128xi32, #tpu.memory_space<hbm>>) dst(%arg7 : memref<32x128xi32, #tpu.memory_space<vmem>>)
        tpu.yield
      }) : () -> ()
      "tpu.region"() ({
        %run_scoped3A = tpu.sem_alloc : memref<!tpu.dma_semaphore, #tpu.memory_space<semaphore_mem>>
        %dma_start3A_43 = arith.constant 0 : i32
        %dma_start3A_44 = tpu.memref_slice %arg4[%add3A_25, %dma_start3A_43] : memref<2560x128xi32, #tpu.memory_space<hbm>> -> memref<32x128xi32, #tpu.memory_space<hbm>>
        %dma_start3A_45 = arith.constant 0 : i32
        %dma_start3A_46 = tpu.memref_slice %arg4[%add3A_25, %dma_start3A_45] : memref<2560x128xi32, #tpu.memory_space<hbm>> -> memref<32x128xi32, #tpu.memory_space<hbm>>
        tpu.enqueue_dma source(%dma_start3A_46 : memref<32x128xi32, #tpu.memory_space<hbm>>) target(%arg8 : memref<32x128xi32, #tpu.memory_space<vmem>>) target_semaphore(%run_scoped3A : memref<!tpu.dma_semaphore, #tpu.memory_space<semaphore_mem>>)
        %dma_wait3A = arith.constant 0 : i32
        %dma_wait3A_47 = tpu.memref_slice %arg4[%add3A_25, %dma_wait3A] : memref<2560x128xi32, #tpu.memory_space<hbm>> -> memref<32x128xi32, #tpu.memory_space<hbm>>
        %dma_wait3A_48 = arith.constant 0 : i32
        %dma_wait3A_49 = tpu.memref_slice %arg4[%add3A_25, %dma_wait3A_48] : memref<2560x128xi32, #tpu.memory_space<hbm>> -> memref<32x128xi32, #tpu.memory_space<hbm>>
        tpu.wait_dma2 semaphore(%run_scoped3A : memref<!tpu.dma_semaphore, #tpu.memory_space<semaphore_mem>>) src(%dma_wait3A_49 : memref<32x128xi32, #tpu.memory_space<hbm>>) dst(%arg8 : memref<32x128xi32, #tpu.memory_space<vmem>>)
        tpu.yield
      }) : () -> ()
      %dma_start3A = arith.constant 0 : i32
      %dma_start3A_26 = arith.constant 0 : i32
      %dma_start3A_27 = tpu.memref_slice %arg7[%dma_start3A, %dma_start3A_26] : memref<32x128xi32, #tpu.memory_space<vmem>> -> memref<1x128xi32, #tpu.memory_space<vmem>>
      %dma_start3A_28 = tpu.memref_squeeze %dma_start3A_27 : memref<1x128xi32, #tpu.memory_space<vmem>> -> memref<128xi32, #tpu.memory_space<vmem>>
      %dma_start3A_29 = arith.constant 0 : i32
      %dma_start3A_30 = arith.constant 0 : i32
      %dma_start3A_31 = tpu.memref_slice %arg2[%dma_start3A_29, %dma_start3A_30] : memref<10240x128xf32, #tpu.memory_space<hbm>> -> memref<10240x128xf32, #tpu.memory_space<hbm>>
      tpu.enqueue_indirect_dma source(%dma_start3A_31 : memref<10240x128xf32, #tpu.memory_space<hbm>>) target(%arg9 : memref<128x128xf32, #tpu.memory_space<vmem>>) offsets(%dma_start3A_28 : memref<128xi32, #tpu.memory_space<vmem>>) semaphore(%arg12 : memref<!tpu.dma_semaphore, #tpu.memory_space<semaphore_mem>>)
      %dma_start3A_32 = arith.constant 1 : i32
      %dma_start3A_33 = arith.constant 0 : i32
      %dma_start3A_34 = tpu.memref_slice %arg7[%dma_start3A_32, %dma_start3A_33] : memref<32x128xi32, #tpu.memory_space<vmem>> -> memref<1x128xi32, #tpu.memory_space<vmem>>
      %dma_start3A_35 = tpu.memref_squeeze %dma_start3A_34 : memref<1x128xi32, #tpu.memory_space<vmem>> -> memref<128xi32, #tpu.memory_space<vmem>>
      %dma_start3A_36 = arith.constant 0 : i32
      %dma_start3A_37 = arith.constant 0 : i32
      %dma_start3A_38 = tpu.memref_slice %arg2[%dma_start3A_36, %dma_start3A_37] : memref<10240x128xf32, #tpu.memory_space<hbm>> -> memref<10240x128xf32, #tpu.memory_space<hbm>>
      tpu.enqueue_indirect_dma source(%dma_start3A_38 : memref<10240x128xf32, #tpu.memory_space<hbm>>) target(%arg10 : memref<128x128xf32, #tpu.memory_space<vmem>>) offsets(%dma_start3A_35 : memref<128xi32, #tpu.memory_space<vmem>>) semaphore(%arg13 : memref<!tpu.dma_semaphore, #tpu.memory_space<semaphore_mem>>)
      %scan3A = arith.constant 0 : i32
      %scan3A_39 = arith.constant 16 : i32
      %scan3A_40 = arith.addi %scan3A, %scan3A_39 : i32
      %scan3A_41 = arith.constant 1 : i32
      scf.for %scan3A_43 = %scan3A to %scan3A_40 step %scan3A_41  : i32 {
        %mul3A_44 = arith.constant 2 : i32
        %mul3A_45 = arith.muli %scan3A_43, %mul3A_44 : i32
        %add3A_46 = arith.constant 0 : i32
        %add3A_47 = arith.addi %add3A_46, %mul3A_45 : i32
        %dma_wait3A = arith.constant 0 : i32
        %dma_wait3A_48 = tpu.memref_slice %arg7[%add3A_47, %dma_wait3A] : memref<32x128xi32, #tpu.memory_space<vmem>> -> memref<1x128xi32, #tpu.memory_space<vmem>>
        %dma_wait3A_49 = tpu.memref_squeeze %dma_wait3A_48 : memref<1x128xi32, #tpu.memory_space<vmem>> -> memref<128xi32, #tpu.memory_space<vmem>>
        %dma_wait3A_50 = arith.constant 0 : i32
        %dma_wait3A_51 = arith.constant 0 : i32
        %dma_wait3A_52 = tpu.memref_slice %arg2[%dma_wait3A_50, %dma_wait3A_51] : memref<10240x128xf32, #tpu.memory_space<hbm>> -> memref<10240x128xf32, #tpu.memory_space<hbm>>
        tpu.wait_indirect_dma semaphore(%arg12 : memref<!tpu.dma_semaphore, #tpu.memory_space<semaphore_mem>>) src(%dma_wait3A_52 : memref<10240x128xf32, #tpu.memory_space<hbm>>) dst(%arg9 : memref<128x128xf32, #tpu.memory_space<vmem>>)
        "tpu.region"() ({
          %run_scoped3A = tpu.sem_alloc : memref<!tpu.dma_semaphore, #tpu.memory_space<semaphore_mem>>
          %dma_start3A_76 = arith.constant 0 : i32
          %dma_start3A_77 = tpu.memref_slice %arg8[%add3A_47, %dma_start3A_76] : memref<32x128xi32, #tpu.memory_space<vmem>> -> memref<1x128xi32, #tpu.memory_space<vmem>>
          %dma_start3A_78 = tpu.memref_squeeze %dma_start3A_77 : memref<1x128xi32, #tpu.memory_space<vmem>> -> memref<128xi32, #tpu.memory_space<vmem>>
          %dma_start3A_79 = arith.constant 0 : i32
          %dma_start3A_80 = arith.constant 0 : i32
          %dma_start3A_81 = tpu.memref_slice %arg11[%dma_start3A_79, %dma_start3A_80] : memref<10240x128xf32, #tpu.memory_space<vmem_shared>> -> memref<10240x128xf32, #tpu.memory_space<vmem_shared>>
          tpu.enqueue_indirect_dma source(%arg9 : memref<128x128xf32, #tpu.memory_space<vmem>>) target(%dma_start3A_81 : memref<10240x128xf32, #tpu.memory_space<vmem_shared>>) offsets(%dma_start3A_78 : memref<128xi32, #tpu.memory_space<vmem>>) semaphore(%run_scoped3A : memref<!tpu.dma_semaphore, #tpu.memory_space<semaphore_mem>>) {add = true}
          %dma_wait3A_82 = arith.constant 0 : i32
          %dma_wait3A_83 = tpu.memref_slice %arg8[%add3A_47, %dma_wait3A_82] : memref<32x128xi32, #tpu.memory_space<vmem>> -> memref<1x128xi32, #tpu.memory_space<vmem>>
          %dma_wait3A_84 = tpu.memref_squeeze %dma_wait3A_83 : memref<1x128xi32, #tpu.memory_space<vmem>> -> memref<128xi32, #tpu.memory_space<vmem>>
          %dma_wait3A_85 = arith.constant 0 : i32
          %dma_wait3A_86 = arith.constant 0 : i32
          %dma_wait3A_87 = tpu.memref_slice %arg11[%dma_wait3A_85, %dma_wait3A_86] : memref<10240x128xf32, #tpu.memory_space<vmem_shared>> -> memref<10240x128xf32, #tpu.memory_space<vmem_shared>>
          tpu.wait_indirect_dma semaphore(%run_scoped3A : memref<!tpu.dma_semaphore, #tpu.memory_space<semaphore_mem>>) src(%arg9 : memref<128x128xf32, #tpu.memory_space<vmem>>) dst(%dma_wait3A_87 : memref<10240x128xf32, #tpu.memory_space<vmem_shared>>)
          tpu.yield
        }) : () -> ()
        %add3A_53 = arith.constant 2 : i32
        %add3A_54 = arith.addi %add3A_47, %add3A_53 : i32
        %lt3A = arith.constant 32 : i32
        %lt3A_55 = arith.cmpi slt, %add3A_54, %lt3A : i32
        %convert_element_type3A_56 = arith.extui %lt3A_55 : i1 to i32
        %cond3A_57 = arith.constant 0 : i32
        %cond3A_58 = arith.cmpi ne, %convert_element_type3A_56, %cond3A_57 : i32
        scf.if %cond3A_58 {
          %add3A_76 = arith.constant 2 : i32
          %add3A_77 = arith.addi %add3A_47, %add3A_76 : i32
          %dma_start3A_78 = arith.constant 0 : i32
          %dma_start3A_79 = tpu.memref_slice %arg7[%add3A_77, %dma_start3A_78] : memref<32x128xi32, #tpu.memory_space<vmem>> -> memref<1x128xi32, #tpu.memory_space<vmem>>
          %dma_start3A_80 = tpu.memref_squeeze %dma_start3A_79 : memref<1x128xi32, #tpu.memory_space<vmem>> -> memref<128xi32, #tpu.memory_space<vmem>>
          %dma_start3A_81 = arith.constant 0 : i32
          %dma_start3A_82 = arith.constant 0 : i32
          %dma_start3A_83 = tpu.memref_slice %arg2[%dma_start3A_81, %dma_start3A_82] : memref<10240x128xf32, #tpu.memory_space<hbm>> -> memref<10240x128xf32, #tpu.memory_space<hbm>>
          tpu.enqueue_indirect_dma source(%dma_start3A_83 : memref<10240x128xf32, #tpu.memory_space<hbm>>) target(%arg9 : memref<128x128xf32, #tpu.memory_space<vmem>>) offsets(%dma_start3A_80 : memref<128xi32, #tpu.memory_space<vmem>>) semaphore(%arg12 : memref<!tpu.dma_semaphore, #tpu.memory_space<semaphore_mem>>)
        } else {
        }
        %add3A_59 = arith.constant 1 : i32
        %add3A_60 = arith.addi %add3A_47, %add3A_59 : i32
        %dma_wait3A_61 = arith.constant 0 : i32
        %dma_wait3A_62 = tpu.memref_slice %arg7[%add3A_60, %dma_wait3A_61] : memref<32x128xi32, #tpu.memory_space<vmem>> -> memref<1x128xi32, #tpu.memory_space<vmem>>
        %dma_wait3A_63 = tpu.memref_squeeze %dma_wait3A_62 : memref<1x128xi32, #tpu.memory_space<vmem>> -> memref<128xi32, #tpu.memory_space<vmem>>
        %dma_wait3A_64 = arith.constant 0 : i32
        %dma_wait3A_65 = arith.constant 0 : i32
        %dma_wait3A_66 = tpu.memref_slice %arg2[%dma_wait3A_64, %dma_wait3A_65] : memref<10240x128xf32, #tpu.memory_space<hbm>> -> memref<10240x128xf32, #tpu.memory_space<hbm>>
        tpu.wait_indirect_dma semaphore(%arg13 : memref<!tpu.dma_semaphore, #tpu.memory_space<semaphore_mem>>) src(%dma_wait3A_66 : memref<10240x128xf32, #tpu.memory_space<hbm>>) dst(%arg10 : memref<128x128xf32, #tpu.memory_space<vmem>>)
        %add3A_67 = arith.constant 1 : i32
        %add3A_68 = arith.addi %add3A_47, %add3A_67 : i32
        "tpu.region"() ({
          %run_scoped3A = tpu.sem_alloc : memref<!tpu.dma_semaphore, #tpu.memory_space<semaphore_mem>>
          %dma_start3A_76 = arith.constant 0 : i32
          %dma_start3A_77 = tpu.memref_slice %arg8[%add3A_68, %dma_start3A_76] : memref<32x128xi32, #tpu.memory_space<vmem>> -> memref<1x128xi32, #tpu.memory_space<vmem>>
          %dma_start3A_78 = tpu.memref_squeeze %dma_start3A_77 : memref<1x128xi32, #tpu.memory_space<vmem>> -> memref<128xi32, #tpu.memory_space<vmem>>
          %dma_start3A_79 = arith.constant 0 : i32
          %dma_start3A_80 = arith.constant 0 : i32
          %dma_start3A_81 = tpu.memref_slice %arg11[%dma_start3A_79, %dma_start3A_80] : memref<10240x128xf32, #tpu.memory_space<vmem_shared>> -> memref<10240x128xf32, #tpu.memory_space<vmem_shared>>
          tpu.enqueue_indirect_dma source(%arg10 : memref<128x128xf32, #tpu.memory_space<vmem>>) target(%dma_start3A_81 : memref<10240x128xf32, #tpu.memory_space<vmem_shared>>) offsets(%dma_start3A_78 : memref<128xi32, #tpu.memory_space<vmem>>) semaphore(%run_scoped3A : memref<!tpu.dma_semaphore, #tpu.memory_space<semaphore_mem>>) {add = true}
          %dma_wait3A_82 = arith.constant 0 : i32
          %dma_wait3A_83 = tpu.memref_slice %arg8[%add3A_68, %dma_wait3A_82] : memref<32x128xi32, #tpu.memory_space<vmem>> -> memref<1x128xi32, #tpu.memory_space<vmem>>
          %dma_wait3A_84 = tpu.memref_squeeze %dma_wait3A_83 : memref<1x128xi32, #tpu.memory_space<vmem>> -> memref<128xi32, #tpu.memory_space<vmem>>
          %dma_wait3A_85 = arith.constant 0 : i32
          %dma_wait3A_86 = arith.constant 0 : i32
          %dma_wait3A_87 = tpu.memref_slice %arg11[%dma_wait3A_85, %dma_wait3A_86] : memref<10240x128xf32, #tpu.memory_space<vmem_shared>> -> memref<10240x128xf32, #tpu.memory_space<vmem_shared>>
          tpu.wait_indirect_dma semaphore(%run_scoped3A : memref<!tpu.dma_semaphore, #tpu.memory_space<semaphore_mem>>) src(%arg10 : memref<128x128xf32, #tpu.memory_space<vmem>>) dst(%dma_wait3A_87 : memref<10240x128xf32, #tpu.memory_space<vmem_shared>>)
          tpu.yield
        }) : () -> ()
        %add3A_69 = arith.constant 3 : i32
        %add3A_70 = arith.addi %add3A_47, %add3A_69 : i32
        %lt3A_71 = arith.constant 32 : i32
        %lt3A_72 = arith.cmpi slt, %add3A_70, %lt3A_71 : i32
        %convert_element_type3A_73 = arith.extui %lt3A_72 : i1 to i32
        %cond3A_74 = arith.constant 0 : i32
        %cond3A_75 = arith.cmpi ne, %convert_element_type3A_73, %cond3A_74 : i32
        scf.if %cond3A_75 {
          %add3A_76 = arith.constant 3 : i32
          %add3A_77 = arith.addi %add3A_47, %add3A_76 : i32
          %dma_start3A_78 = arith.constant 0 : i32
          %dma_start3A_79 = tpu.memref_slice %arg7[%add3A_77, %dma_start3A_78] : memref<32x128xi32, #tpu.memory_space<vmem>> -> memref<1x128xi32, #tpu.memory_space<vmem>>
          %dma_start3A_80 = tpu.memref_squeeze %dma_start3A_79 : memref<1x128xi32, #tpu.memory_space<vmem>> -> memref<128xi32, #tpu.memory_space<vmem>>
          %dma_start3A_81 = arith.constant 0 : i32
          %dma_start3A_82 = arith.constant 0 : i32
          %dma_start3A_83 = tpu.memref_slice %arg2[%dma_start3A_81, %dma_start3A_82] : memref<10240x128xf32, #tpu.memory_space<hbm>> -> memref<10240x128xf32, #tpu.memory_space<hbm>>
          tpu.enqueue_indirect_dma source(%dma_start3A_83 : memref<10240x128xf32, #tpu.memory_space<hbm>>) target(%arg10 : memref<128x128xf32, #tpu.memory_space<vmem>>) offsets(%dma_start3A_80 : memref<128xi32, #tpu.memory_space<vmem>>) semaphore(%arg13 : memref<!tpu.dma_semaphore, #tpu.memory_space<semaphore_mem>>)
        } else {
        }
      }
      %scan3A_42 = arith.constant 16 : i32
    } else {
    }
    %barrier3A_10 = arith.constant 0 : index
    tpu.barrier barrier_id(%barrier3A_10)
    %eq3A_11 = arith.constant 0 : i32
    %eq3A_12 = arith.cmpi eq, %arg0, %eq3A_11 : i32
    %convert_element_type3A_13 = arith.extui %eq3A_12 : i1 to i32
    %cond3A_14 = arith.constant 0 : i32
    %cond3A_15 = arith.cmpi ne, %convert_element_type3A_13, %cond3A_14 : i32
    scf.if %cond3A_15 {
      %mul3A_21 = arith.constant 640 : i32
      %mul3A_22 = arith.muli %arg1, %mul3A_21 : i32
      %mul3A_23 = arith.constant 640 : i32
      %mul3A_24 = arith.muli %arg1, %mul3A_23 : i32
      "tpu.region"() ({
        %run_scoped3A = tpu.sem_alloc : memref<!tpu.dma_semaphore, #tpu.memory_space<semaphore_mem>>
        %dma_start3A = arith.constant 0 : i32
        %dma_start3A_25 = tpu.memref_slice %arg5[%mul3A_24, %dma_start3A] : memref<10240x128xf32, #tpu.memory_space<hbm>> -> memref<640x128xf32, #tpu.memory_space<hbm>>
        %dma_start3A_26 = arith.constant 0 : i32
        %dma_start3A_27 = tpu.memref_slice %arg11[%mul3A_22, %dma_start3A_26] : memref<10240x128xf32, #tpu.memory_space<vmem_shared>> -> memref<640x128xf32, #tpu.memory_space<vmem_shared>>
        tpu.enqueue_dma source(%dma_start3A_27 : memref<640x128xf32, #tpu.memory_space<vmem_shared>>) target(%dma_start3A_25 : memref<640x128xf32, #tpu.memory_space<hbm>>) target_semaphore(%run_scoped3A : memref<!tpu.dma_semaphore, #tpu.memory_space<semaphore_mem>>)
        %dma_wait3A = arith.constant 0 : i32
        %dma_wait3A_28 = tpu.memref_slice %arg5[%mul3A_24, %dma_wait3A] : memref<10240x128xf32, #tpu.memory_space<hbm>> -> memref<640x128xf32, #tpu.memory_space<hbm>>
        %dma_wait3A_29 = arith.constant 0 : i32
        %dma_wait3A_30 = tpu.memref_slice %arg11[%mul3A_22, %dma_wait3A_29] : memref<10240x128xf32, #tpu.memory_space<vmem_shared>> -> memref<640x128xf32, #tpu.memory_space<vmem_shared>>
        tpu.wait_dma2 semaphore(%run_scoped3A : memref<!tpu.dma_semaphore, #tpu.memory_space<semaphore_mem>>) src(%dma_wait3A_30 : memref<640x128xf32, #tpu.memory_space<vmem_shared>>) dst(%dma_wait3A_28 : memref<640x128xf32, #tpu.memory_space<hbm>>)
        tpu.yield
      }) : () -> ()
    } else {
    }
    %eq3A_16 = arith.constant 1 : i32
    %eq3A_17 = arith.cmpi eq, %arg0, %eq3A_16 : i32
    %convert_element_type3A_18 = arith.extui %eq3A_17 : i1 to i32
    %cond3A_19 = arith.constant 0 : i32
    %cond3A_20 = arith.cmpi ne, %convert_element_type3A_18, %cond3A_19 : i32
    scf.if %cond3A_20 {
      %mul3A_21 = arith.constant 640 : i32
      %mul3A_22 = arith.muli %arg1, %mul3A_21 : i32
      %mul3A_23 = arith.constant 640 : i32
      %mul3A_24 = arith.muli %arg1, %mul3A_23 : i32
      "tpu.region"() ({
        %run_scoped3A = tpu.sem_alloc : memref<!tpu.dma_semaphore, #tpu.memory_space<semaphore_mem>>
        %dma_start3A = arith.constant 0 : i32
        %dma_start3A_25 = tpu.memref_slice %arg6[%mul3A_24, %dma_start3A] : memref<10240x128xf32, #tpu.memory_space<hbm>> -> memref<640x128xf32, #tpu.memory_space<hbm>>
        %dma_start3A_26 = arith.constant 0 : i32
        %dma_start3A_27 = tpu.memref_slice %arg11[%mul3A_22, %dma_start3A_26] : memref<10240x128xf32, #tpu.memory_space<vmem_shared>> -> memref<640x128xf32, #tpu.memory_space<vmem_shared>>
        tpu.enqueue_dma source(%dma_start3A_27 : memref<640x128xf32, #tpu.memory_space<vmem_shared>>) target(%dma_start3A_25 : memref<640x128xf32, #tpu.memory_space<hbm>>) target_semaphore(%run_scoped3A : memref<!tpu.dma_semaphore, #tpu.memory_space<semaphore_mem>>)
        %dma_wait3A = arith.constant 0 : i32
        %dma_wait3A_28 = tpu.memref_slice %arg6[%mul3A_24, %dma_wait3A] : memref<10240x128xf32, #tpu.memory_space<hbm>> -> memref<640x128xf32, #tpu.memory_space<hbm>>
        %dma_wait3A_29 = arith.constant 0 : i32
        %dma_wait3A_30 = tpu.memref_slice %arg11[%mul3A_22, %dma_wait3A_29] : memref<10240x128xf32, #tpu.memory_space<vmem_shared>> -> memref<640x128xf32, #tpu.memory_space<vmem_shared>>
        tpu.wait_dma2 semaphore(%run_scoped3A : memref<!tpu.dma_semaphore, #tpu.memory_space<semaphore_mem>>) src(%dma_wait3A_30 : memref<640x128xf32, #tpu.memory_space<vmem_shared>>) dst(%dma_wait3A_28 : memref<640x128xf32, #tpu.memory_space<hbm>>)
        tpu.yield
      }) : () -> ()
    } else {
    }
    return
  }
}

module attributes {stable_mosaic.version = 14 : i64} {
  func.func @body(%arg0: i32, %arg1: memref<2048x128xf32, #tpu.memory_space<vmem>>, %arg2: memref<128x128xf32, #tpu.memory_space<vmem>>, %arg3: memref<2048x128xf32, #tpu.memory_space<vmem>>) attributes {dimension_semantics = [#tpu.dimension_semantics<arbitrary>], iteration_bounds = array<i64: 5>, scalar_prefetch = 0 : i64, scratch_operands = 0 : i64, tpu.core_type = #tpu.core_type<tc>, window_params = [{transform_indices = @transform_0, window_bounds = array<i64: 2048, 128>}, {pipeline_mode = #tpu.pipeline_mode<synchronous>, transform_indices = @transform_1, window_bounds = array<i64: 128, 128>}, {transform_indices = @transform_2, window_bounds = array<i64: 2048, 128>}]} {
    %get3A = arith.constant 0 : index
    %get3A_0 = arith.constant 0 : index
    %get3A_1 = vector.load %arg1[%get3A, %get3A_0] : memref<2048x128xf32, #tpu.memory_space<vmem>>, vector<2048x128xf32>
    %get3A_2 = arith.constant 0 : index
    %get3A_3 = arith.constant 0 : index
    %get3A_4 = vector.load %arg2[%get3A_2, %get3A_3] : memref<128x128xf32, #tpu.memory_space<vmem>>, vector<128x128xf32>
    %dot_general3A = arith.constant dense<0.000000e+00> : vector<2048x128xf32>
    %dot_general3A_5 = tpu.matmul %get3A_1, %get3A_4, %dot_general3A {dimension_numbers = #tpu.dot_dimension_numbers<[1], [0], [0], [1], [0, 0, 1, 1], [], []>, transpose_lhs_hint = false} : vector<2048x128xf32>, vector<128x128xf32>, vector<2048x128xf32> -> vector<2048x128xf32>
    %swap3A = arith.constant 0 : index
    %swap3A_6 = arith.constant 0 : index
    %swap3A_7 = vector.load %arg3[%swap3A, %swap3A_6] : memref<2048x128xf32, #tpu.memory_space<vmem>>, vector<2048x128xf32>
    tpu.vector_store %arg3[%swap3A, %swap3A_6], %dot_general3A_5 {strides = array<i32>} : memref<2048x128xf32, #tpu.memory_space<vmem>>, vector<2048x128xf32>,
    return
  }
  func.func @transform_0(%arg0: i32) -> (i32, i32) {
    %c0_i32 = arith.constant 0 : i32
    %c0_i32_0 = arith.constant 0 : i32
    return %arg0, %c0_i32 : i32, i32
  }
  func.func @transform_1(%arg0: i32) -> (i32, i32) {
    %c0_i32 = arith.constant 0 : i32
    %c0_i32_0 = arith.constant 0 : i32
    %c0_i32_1 = arith.constant 0 : i32
    return %c0_i32, %c0_i32_0 : i32, i32
  }
  func.func @transform_2(%arg0: i32) -> (i32, i32) {
    %c0_i32 = arith.constant 0 : i32
    %c0_i32_0 = arith.constant 0 : i32
    return %arg0, %c0_i32 : i32, i32
  }
}

module attributes {stable_mosaic.version = 14 : i64} {
  func.func @body(%arg0: i32, %arg1: memref<2000x128xf32, #tpu.memory_space<vmem>>, %arg2: memref<2000x128xf32, #tpu.memory_space<vmem>>, %arg3: memref<2000x128xf32, #tpu.memory_space<vmem>>, %arg4: memref<2000x1xf32, #tpu.memory_space<vmem>>, %arg5: memref<1x128xf32, #tpu.memory_space<vmem>>, %arg6: memref<2000x128xf32, #tpu.memory_space<vmem>>) attributes {dimension_semantics = [#tpu.dimension_semantics<arbitrary>], iteration_bounds = array<i64: 5>, scalar_prefetch = 0 : i64, scratch_operands = 0 : i64, tpu.core_type = #tpu.core_type<tc>, window_params = [{transform_indices = @transform_0, window_bounds = array<i64: 2000, 128>}, {transform_indices = @transform_1, window_bounds = array<i64: 2000, 128>}, {transform_indices = @transform_2, window_bounds = array<i64: 2000, 128>}, {transform_indices = @transform_3, window_bounds = array<i64: 2000, 1>}, {pipeline_mode = #tpu.pipeline_mode<synchronous>, transform_indices = @transform_4, window_bounds = array<i64: 1, 128>}, {transform_indices = @transform_5, window_bounds = array<i64: 2000, 128>}]} {
    %get3A = arith.constant 0 : index
    %get3A_0 = arith.constant 0 : index
    %get3A_1 = vector.load %arg1[%get3A, %get3A_0] : memref<2000x128xf32, #tpu.memory_space<vmem>>, vector<2000x128xf32>
    %get3A_2 = arith.constant 0 : index
    %get3A_3 = arith.constant 0 : index
    %get3A_4 = vector.load %arg2[%get3A_2, %get3A_3] : memref<2000x128xf32, #tpu.memory_space<vmem>>, vector<2000x128xf32>
    %add3A = arith.addf %get3A_1, %get3A_4 : vector<2000x128xf32>
    %get3A_5 = arith.constant 0 : index
    %get3A_6 = arith.constant 0 : index
    %get3A_7 = vector.load %arg3[%get3A_5, %get3A_6] : memref<2000x128xf32, #tpu.memory_space<vmem>>, vector<2000x128xf32>
    %mul3A = arith.constant 1.000000e+00 : f32
    %mul3A_8 = vector.broadcast %mul3A : f32 to vector<2000x128xf32>
    %mul3A_9 = arith.mulf %mul3A_8, %get3A_7 : vector<2000x128xf32>
    %sub3A = arith.subf %add3A, %mul3A_9 : vector<2000x128xf32>
    %get3A_10 = arith.constant 0 : index
    %get3A_11 = arith.constant 0 : index
    %get3A_12 = vector.load %arg4[%get3A_10, %get3A_11] : memref<2000x1xf32, #tpu.memory_space<vmem>>, vector<2000x1xf32>
    %mul3A_13 = vector.broadcast %get3A_12 : vector<2000x1xf32> to vector<2000x128xf32>
    %mul3A_14 = arith.mulf %mul3A_13, %sub3A : vector<2000x128xf32>
    %get3A_15 = arith.constant 0 : index
    %get3A_16 = arith.constant 0 : index
    %get3A_17 = vector.load %arg5[%get3A_15, %get3A_16] : memref<1x128xf32, #tpu.memory_space<vmem>>, vector<1x128xf32>
    %add3A_18 = vector.broadcast %get3A_17 : vector<1x128xf32> to vector<2000x128xf32>
    %add3A_19 = arith.addf %mul3A_14, %add3A_18 : vector<2000x128xf32>
    %max3A = arith.constant 0.000000e+00 : f32
    %max3A_20 = vector.broadcast %max3A : f32 to vector<2000x128xf32>
    %max3A_21 = arith.maximumf %add3A_19, %max3A_20 : vector<2000x128xf32>
    %swap3A = arith.constant 0 : index
    %swap3A_22 = arith.constant 0 : index
    %swap3A_23 = vector.load %arg6[%swap3A, %swap3A_22] : memref<2000x128xf32, #tpu.memory_space<vmem>>, vector<2000x128xf32>
    tpu.vector_store %arg6[%swap3A, %swap3A_22], %max3A_21 {strides = array<i32>} : memref<2000x128xf32, #tpu.memory_space<vmem>>, vector<2000x128xf32>,
    return
  }
  func.func @transform_0(%arg0: i32) -> (i32, i32) {
    %c0_i32 = arith.constant 0 : i32
    %c0_i32_0 = arith.constant 0 : i32
    return %arg0, %c0_i32 : i32, i32
  }
  func.func @transform_1(%arg0: i32) -> (i32, i32) {
    %c0_i32 = arith.constant 0 : i32
    %c0_i32_0 = arith.constant 0 : i32
    return %arg0, %c0_i32 : i32, i32
  }
  func.func @transform_2(%arg0: i32) -> (i32, i32) {
    %c0_i32 = arith.constant 0 : i32
    %c0_i32_0 = arith.constant 0 : i32
    return %arg0, %c0_i32 : i32, i32
  }
  func.func @transform_3(%arg0: i32) -> (i32, i32) {
    %c0_i32 = arith.constant 0 : i32
    %c0_i32_0 = arith.constant 0 : i32
    return %arg0, %c0_i32 : i32, i32
  }
  func.func @transform_4(%arg0: i32) -> (i32, i32) {
    %c0_i32 = arith.constant 0 : i32
    %c0_i32_0 = arith.constant 0 : i32
    %c0_i32_1 = arith.constant 0 : i32
    return %c0_i32, %c0_i32_0 : i32, i32
  }
  func.func @transform_5(%arg0: i32) -> (i32, i32) {
    %c0_i32 = arith.constant 0 : i32
    %c0_i32_0 = arith.constant 0 : i32
    return %arg0, %c0_i32 : i32, i32
  }
}

module attributes {stable_mosaic.version = 14 : i64} {
  func.func @body(%arg0: i32, %arg1: memref<2048x16xf32, #tpu.memory_space<vmem>>, %arg2: memref<2048x16xf32, #tpu.memory_space<vmem>>, %arg3: memref<2048x128xf32, #tpu.memory_space<vmem>>, %arg4: memref<2048x128xf32, #tpu.memory_space<vmem>>, %arg5: memref<2048x1xf32, #tpu.memory_space<vmem>>) attributes {dimension_semantics = [#tpu.dimension_semantics<arbitrary>], iteration_bounds = array<i64: 5>, scalar_prefetch = 0 : i64, scratch_operands = 0 : i64, tpu.core_type = #tpu.core_type<tc>, window_params = [{transform_indices = @transform_0, window_bounds = array<i64: 2048, 16>}, {transform_indices = @transform_1, window_bounds = array<i64: 2048, 16>}, {transform_indices = @transform_2, window_bounds = array<i64: 2048, 128>}, {transform_indices = @transform_3, window_bounds = array<i64: 2048, 128>}, {transform_indices = @transform_4, window_bounds = array<i64: 2048, 1>}]} {
    %get3A = arith.constant 0 : index
    %get3A_0 = arith.constant 0 : index
    %get3A_1 = vector.load %arg1[%get3A, %get3A_0] : memref<2048x16xf32, #tpu.memory_space<vmem>>, vector<2048x1xf32>
    %add3A = arith.constant 1.000000e+00 : f32
    %add3A_2 = vector.broadcast %add3A : f32 to vector<2048x1xf32>
    %add3A_3 = arith.addf %get3A_1, %add3A_2 : vector<2048x1xf32>
    %get3A_4 = arith.constant 0 : index
    %get3A_5 = arith.constant 0 : index
    %get3A_6 = vector.load %arg2[%get3A_4, %get3A_5] : memref<2048x16xf32, #tpu.memory_space<vmem>>, vector<2048x1xf32>
    %add3A_7 = arith.addf %add3A_3, %get3A_6 : vector<2048x1xf32>
    %rsqrt3A = math.rsqrt %add3A_7 : vector<2048x1xf32>
    %swap3A = arith.constant 0 : index
    %swap3A_8 = arith.constant 0 : index
    %swap3A_9 = vector.load %arg5[%swap3A, %swap3A_8] : memref<2048x1xf32, #tpu.memory_space<vmem>>, vector<2048x1xf32>
    tpu.vector_store %arg5[%swap3A, %swap3A_8], %rsqrt3A {strides = array<i32>} : memref<2048x1xf32, #tpu.memory_space<vmem>>, vector<2048x1xf32>,
    %get3A_10 = arith.constant 0 : index
    %get3A_11 = arith.constant 0 : index
    %get3A_12 = vector.load %arg3[%get3A_10, %get3A_11] : memref<2048x128xf32, #tpu.memory_space<vmem>>, vector<2048x128xf32>
    %mul3A = vector.broadcast %rsqrt3A : vector<2048x1xf32> to vector<2048x128xf32>
    %mul3A_13 = arith.mulf %get3A_12, %mul3A : vector<2048x128xf32>
    %swap3A_14 = arith.constant 0 : index
    %swap3A_15 = arith.constant 0 : index
    %swap3A_16 = vector.load %arg4[%swap3A_14, %swap3A_15] : memref<2048x128xf32, #tpu.memory_space<vmem>>, vector<2048x128xf32>
    tpu.vector_store %arg4[%swap3A_14, %swap3A_15], %mul3A_13 {strides = array<i32>} : memref<2048x128xf32, #tpu.memory_space<vmem>>, vector<2048x128xf32>,
    return
  }
  func.func @transform_0(%arg0: i32) -> (i32, i32) {
    %c0_i32 = arith.constant 0 : i32
    %c0_i32_0 = arith.constant 0 : i32
    return %arg0, %c0_i32 : i32, i32
  }
  func.func @transform_1(%arg0: i32) -> (i32, i32) {
    %c0_i32 = arith.constant 0 : i32
    %c0_i32_0 = arith.constant 0 : i32
    return %arg0, %c0_i32 : i32, i32
  }
  func.func @transform_2(%arg0: i32) -> (i32, i32) {
    %c0_i32 = arith.constant 0 : i32
    %c0_i32_0 = arith.constant 0 : i32
    return %arg0, %c0_i32 : i32, i32
  }
  func.func @transform_3(%arg0: i32) -> (i32, i32) {
    %c0_i32 = arith.constant 0 : i32
    %c0_i32_0 = arith.constant 0 : i32
    return %arg0, %c0_i32 : i32, i32
  }
  func.func @transform_4(%arg0: i32) -> (i32, i32) {
    %c0_i32 = arith.constant 0 : i32
    %c0_i32_0 = arith.constant 0 : i32
    return %arg0, %c0_i32 : i32, i32
  }
}

</mosaic_0001>

<sc_bundles>
// kernel: kernel.10.cloned.1.call-start
scs
__scs_entry_jumppad:
0x0: {  	(pc) =	sbr.rel $0x88, $3  }
0x1: {  	(tag) =	ssettag $0x0;
	lr =	simm.s32 $0x1  }
0x2: {  	[smem:$0x3F9D] =	sst lr;
	_ =	strace $0xD0000000  }
0x3: {  	_ = 	snop  }
0x4: {  	_ = 	snop  }
0x5: {  	_ = 	snop  }
0x6: {  	_ = 	snop  }
0x7: {  	_ = 	snop  }
__scs_overlays_trampoline_lowered:
0x8: {  	[smem:$0x3FAC] =	sst s0  }
0x9: {  	[smem:$0x3FAD] =	sst s1  }
0xa: {  	[smem:$0x3FAE] =	sst s2  }
0xb: {  	[smem:$0x3FAF] =	sst s3  }
0xc: {  	[smem:$0x3FB0] =	sst s4  }
0xd: {  	[smem:$0x3FB1] =	sst s5  }
0xe: {  	[smem:$0x3FB2] =	sst s6  }
0xf: {  	[smem:$0x3FB3] =	sst s7  }
0x10: {  	[smem:$0x3FB4] =	sst s8  }
0x11: {  	[smem:$0x3FB5] =	sst s9;
	s0 =	simm.s32 @!p0 $0x0  }
0x12: {  	s1 =	sld [smem:$0x3F9B];
	s0 =	simm.s32 @p0 $0x1  }
0x13: {  	[smem:$0x3FB6] =	sst s0;
	s0 =	simm.s32 @!p1 $0x0  }
0x14: {  	s2 =	sld [smem:$0x3F9A];
	s0 =	simm.s32 @p1 $0x1  }
0x15: {  	[smem:$0x3FB7] =	sst s0;
	s0 =	simm.s32 @!p2 $0x0  }
0x16: {  	s3 =	sld [smem:$0x3FDB];
	s0 =	simm.s32 @p2 $0x1  }
0x17: {  	s4 =	simm.s32 $0x1BF5;
	[smem:$0x3FB9] =	sst s0  }
0x18: {  	s0 =	sld [smem:$0x3F9C];
	_ =	swait.ge [sflag:s4], $0x0  }
0x19: {  	s7 =	sld [smem:$0x3F9D]  }
0x1a: {  	s8 =	sadd.s32 $0xFFFFE003, lr  }
0x1b: {  	s9 =	sadd.s32 $0xFFFFFEF7, lr;
	s5 =	simm.s32 $0xFFFFFFFF;
	p2 =	slt.u32 s8, $0xFFFFF086  }
0x1c: {  	p1 =	slt.u32 s9, $0xF7A;
	s5 =	simm.s32 @!p2 $0x0  }
0x1d: {  	s5 =	simm.s32 @p1 $0x1;
	p0 =	seq.s32 s7, s2  }
0x1e: {  	s7 =	smul.u32 @!p0 $0xF7A, s2;
	p2 =	seq.s32 @!p0 s5, $0x0  }
0x1f: {  	s9 =	smul.u32 $0xF7A, s1;
	s8 =	simm.s32 @!p0 $0x1BF5;
	p2 =	por !p2, p0  }
0x20: {  	[sflag:s8] =	ssyncset.s32 @!p0 $0xFFFFF086;
	s6 =	sadd.s32 @!p0 s3, s7;
	s7 =	simm.s32 @!p0 $0x108  }
0x21: {  	s3 =	sadd.s32 s3, s9;
	s6 =	sadd.s32 @!p0 $0x88, s6;
	s7 =	simm.s32 @p2 $0x1082  }
0x22: {  	[simem:s7], [sflag:s8] =	dma.local @!p0 [hbm:s6], $0xF7A  }
0x23: {  	s9 =	sor.u32 $0xD0000000, s2;
	s6 =	simm.s32 $0x108;
	_ =	swait.ge @!p0 [sflag:s8], $0x0  }
0x24: {  	s3 =	sadd.s32 $0x88, s3;
	s6 =	simm.s32 @!p1 $0x1082;
	[sflag:s4] =	ssyncset.s32 $0xFFFFF086  }
0x25: {  	[simem:s6], [sflag:s4] =	dma.local [hbm:s3], $0xF7A  }
0x26: {  	[smem:$0x3F9D] =	sst s1;
	(tag) =	ssettag s2;
	_ =	strace s9  }
0x27: {  	s1 =	sld [smem:$0x3FAD]  }
0x28: {  	s2 =	sld [smem:$0x3FAE]  }
0x29: {  	s4 =	sld [smem:$0x3FB0]  }
0x2a: {  	p0 =	seq.s32 s5, $0x0;
	s5 =	sld [smem:$0x3FB1]  }
0x2b: {  	s6 =	sld [smem:$0x3FB2]  }
0x2c: {  	s7 =	sld [smem:$0x3FB3]  }
0x2d: {  	s3 =	simm.s32 $0x108;
	s8 =	sld [smem:$0x3FB4]  }
0x2e: {  	s3 =	simm.s32 @!p0 $0x1082;
	s9 =	sld [smem:$0x3FB5]  }
0x2f: {  	lr =	sadd.s32 s0, s3;
	s0 =	sld [smem:$0x3FAC]  }
0x30: {  	s3 =	sld [smem:$0x3FAF]  }
0x31: {  	[smem:$0x3FB8] =	sst s10  }
0x32: {  	s10 =	sld [smem:$0x3FB6];
	_ =	sdelay $0x3  }
0x33: {  	p0 =	seq.s32 s10, $0x1;
	s10 =	sld [smem:$0x3FB8];
	_ =	sdelay $0x3  }
0x34: {  	[smem:$0x3FB8] =	sst s10  }
0x35: {  	s10 =	sld [smem:$0x3FB7];
	_ =	sdelay $0x3  }
0x36: {  	p1 =	seq.s32 s10, $0x1;
	s10 =	sld [smem:$0x3FB8];
	_ =	sdelay $0x3  }
0x37: {  	[smem:$0x3FB8] =	sst s10  }
0x38: {  	s10 =	sld [smem:$0x3FB9]  }
0x39: {  	_ = 	snop;
	(pc) =	sbr.ind lr, $3  }
0x3a: {  	_ = 	snop  }
0x3b: {  	_ = 	snop  }
0x3c: {  	p2 =	seq.s32 s10, $0x1;
	s10 =	sld [smem:$0x3FB8]  }
0x3d: {  	_ =	shalt  }
0x3e: {  	_ =	shalt  }
0x3f: {  	_ =	shalt  }
0x40: {  	_ =	shalt  }
0x41: {  	_ =	shalt  }
0x42: {  	_ =	shalt  }
0x43: {  	_ =	shalt  }
0x44: {  	_ =	shalt  }
0x45: {  	_ =	shalt  }
0x46: {  	_ =	shalt  }
0x47: {  	_ =	shalt  }
0x48: {  	_ =	shalt  }
0x49: {  	_ =	shalt  }
0x4a: {  	_ =	shalt  }
0x4b: {  	_ =	shalt  }
0x4c: {  	_ =	shalt  }
0x4d: {  	_ =	shalt  }
0x4e: {  	_ =	shalt  }
0x4f: {  	_ =	shalt  }
0x50: {  	_ =	shalt  }
0x51: {  	_ =	shalt  }
0x52: {  	_ =	shalt  }
0x53: {  	_ =	shalt  }
0x54: {  	_ =	shalt  }
0x55: {  	_ =	shalt  }
0x56: {  	_ =	shalt  }
0x57: {  	_ =	shalt  }
0x58: {  	_ =	shalt  }
0x59: {  	_ =	shalt  }
0x5a: {  	_ =	shalt  }
0x5b: {  	_ =	shalt  }
0x5c: {  	_ =	shalt  }
0x5d: {  	_ =	shalt  }
0x5e: {  	_ =	shalt  }
0x5f: {  	_ =	shalt  }
0x60: {  	_ =	shalt  }
0x61: {  	_ =	shalt  }
0x62: {  	_ =	shalt  }
0x63: {  	_ =	shalt  }
0x64: {  	_ =	shalt  }
0x65: {  	_ =	shalt  }
0x66: {  	_ =	shalt  }
0x67: {  	_ =	shalt  }
0x68: {  	_ =	shalt  }
0x69: {  	_ =	shalt  }
0x6a: {  	_ =	shalt  }
0x6b: {  	_ =	shalt  }
0x6c: {  	_ =	shalt  }
0x6d: {  	_ =	shalt  }
0x6e: {  	_ =	shalt  }
0x6f: {  	_ =	shalt  }
0x70: {  	_ =	shalt  }
0x71: {  	_ =	shalt  }
0x72: {  	_ =	shalt  }
0x73: {  	_ =	shalt  }
0x74: {  	_ =	shalt  }
0x75: {  	_ =	shalt  }
0x76: {  	_ =	shalt  }
0x77: {  	_ =	shalt  }
0x78: {  	_ =	shalt  }
0x79: {  	_ =	shalt  }
0x7a: {  	_ =	shalt  }
0x7b: {  	_ =	shalt  }
0x7c: {  	_ =	shalt  }
0x7d: {  	_ =	shalt  }
0x7e: {  	_ =	shalt  }
0x7f: {  	_ =	shalt  }
0x80: {  	_ =	shalt  }
0x81: {  	_ =	shalt  }
0x82: {  	_ =	shalt  }
0x83: {  	_ =	shalt  }
0x84: {  	_ =	shalt  }
0x85: {  	_ =	shalt  }
0x86: {  	_ =	shalt  }
0x87: {  	_ =	shalt  }
.Lfunc_end0:
.L_simem_size_0:
called_computation.1_lowered:
.L_overlay_start_0:
0x88: {  	s2 =	sld [smem:$0x3FD9]  }
0x89: {  	s3 =	sld [smem:$0x3FFE];
	_ =	sdelay $0x1  }
0x8a: {  	s1 =	srdreg.scid  }
0x8b: {  	s0 =	sand.u32 $0x1, s1  }
0x8c: {  	s17 =	sshll.u32 s0, $0xA;
	s2 =	sadd.s32 s3, s2  }
0x8d: {  	s2 =	sadd.s32 s2, s17  }
0x8e: {  	[smem:$0x3FC4] =	sst s2  }
0x8f: {  	_ = 	snop  }
0x90: {  	s2 =	sld [smem:$0x3FD0];
	(tm) =	ssettm $0x1  }
0x91: {  	s18 =	sld [smem:$0x3FFB];
	_ =	sdelay $0x3  }
0x92: {  	_ =	strace s18  }
0x93: {  	s3 =	sld [smem:$0x3FFC];
	_ =	sdelay $0x3  }
0x94: {  	_ =	strace s3  }
0x95: {  	s3 =	sld [smem:$0x3FFD];
	_ =	sdelay $0x3  }
0x96: {  	_ =	strace s3  }
0x97: {  	_ =	strace $0x8FFFFFFF  }
0x98: {  	s19 =	sld [smem:$0x3FDB];
	_ =	sdelay $0x1  }
0x99: {  	s4 =	simm.s32 $_scs_section_size  }
0x9a: {  	s5 =	simm.s32 $_size__tile_overlayer_lowered;
	s6 =	simm.s32 $_tile_overlayer_lowered  }
0x9b: {  	s22 =	simm.s32 $0x1BFF;
	s21 =	sshll.u32 s6, $0x1;
	s3 =	sadd.s32 s4, s19  }
0x9c: {  	s7 =	simm.s32 $0x0;
	s20 =	sshll.u32 s5, $0x1;
	s5 =	sadd.s32 s21, s3  }
0x9d: {  	[timem:s7], [sflag:s22] =	dma.local [hbm:s5], s20  }
0x9e: {  	_ =	swait.ge [sflag:s22], s20  }
0x9f: {  	s4 =	ssub.s32 $0x0, s20;
	[sflag:s22] =	ssyncset.done $0x0  }
0xa0: {  	[sflag:s22] =	ssyncadd.s32 s4;
	_ =	sdelay $0x1  }
0xa1: {  	s23 =	simm.s32 $0x1B8B  }
0xa2: {  	_ =	swait.ge [sflag:s23], $0x1  }
0xa3: {  	[sflag:s23] =	ssyncset.done $0x0  }
0xa4: {  	s25 =	simm.s32 $0x1B8E;
	s24 =	sld [smem:$0x3FFE];
	[sflag:s23] =	ssyncadd.s32 $0xFFFFFFFF  }
0xa5: {  	s26 =	simm.s32 $execute0_lowered;
	[smem:$0x3FD2] =	sst s25  }
0xa6: {  	s5 =	sshll.u32 s26, $0x1;
	_ =	strace $0x80000049;
	[dreg:$0x1] =	wrdreg $0xFFFFFFFF  }
0xa7: {  	s28 =	simm.s32 $_size_execute0_lowered;
	s3 =	sadd.s32 s3, s5;
	[dreg:$0x0] =	wrdreg $0x0  }
0xa8: {  	s5 =	sshll.u32 s28, $0x1;
	[dreg:$0x2] =	wrdreg s3  }
0xa9: {  	[dreg:$0x3] =	wrdreg s5  }
0xaa: {  	[dreg:$0x4] =	wrdreg $0xC0  }
0xab: {  	_ =	task [dreg:s7], $0x5FFFF  }
0xac: {  	[dreg:$0x1] =	wrdreg $0xFFFFFFFF  }
0xad: {  	[dreg:$0x0] =	wrdreg $0x60  }
0xae: {  	[dreg:$0x2] =	wrdreg s24  }
0xaf: {  	[dreg:$0x3] =	wrdreg s2  }
0xb0: {  	[dreg:$0x4] =	wrdreg $0xA0000  }
0xb1: {  	[dreg:$0x5] =	wrdreg $0x9  }
0xb2: {  	_ =	task.clear_ibuf [dreg:s7], $0x6FFFF;
	_ =	strace $0x90000049  }
0xb3: {  	s29 =	simm.s32 $0x9;
	_ =	strace $0x8000004B  }
0xb4: {  	_ =	swait.ge [sflag:s29], $0x1  }
0xb5: {  	[sflag:s29] =	ssyncadd.s32 $0xFFFFFFFF  }
0xb6: {  	_ =	strace $0x9000004B  }
0xb7: {  	_ =	sfence  }
0xb8: {  	s30 =	sld [smem:$0x0];
	_ =	sdelay $0x2  }
0xb9: {  	s31 =	sshll.u32 s1, $0xD;
	s1 =	sshrl.u32 s1, $0x2  }
0xba: {  	s3 =	sand.u32 $0x4000, s31;
	s1 =	sadd.s32 s1, s30  }
0xbb: {  	s0 =	sor.u32 s3, s0;
	s1 =	sshll.u32 s1, $0x11  }
0xbc: {  	s0 =	sor.u32 s1, s0  }
0xbd: {  	s0 =	sadd.s32 $0x8F2B, s0  }
0xbe: {  	[sflag:s0] =	ssyncadd.remote.s32 $0x1  }
0xbf: {  	_ =	sfence.sel $0xFFFF  }
0xc0: {  	[dreg:$0x0] =	wrdreg $0xFFFFFFFF;
	(pc) =	sbr.abs _section_cstart, $3  }
0xc1: {  	[dreg:$0x1] =	wrdreg $0xFFFFFFFF  }
0xc2: {  	_ =	task.clear_ibuf [dreg:s7], $0x2FFFF;
	_ =	strace $0x9FFFFFFF  }
0xc3: {  	(tm) =	ssettm $0x7FFFFFFF  }
tec
execute0_lowered:
.L_overlay_start_1:
0x0: {  	(tag) =	ssettag $0x1  }
0x1: {  	s0 =	rddreg [dreg:$0x0]  }
0x2: {  	s2 =	rddreg [dreg:$0x1]  }
0x3: {  	s1 =	rddreg [dreg:$0x2];
	s3 =	simm.s32 $0x0;
	s5 =	srdreg.scid  }
0x4: {  	s7 =	stileid.u32;
	s22 =	simm.s32 $0x3;
	s23 =	simm.s32 $0x1000  }
0x5: {  	s28 =	simm.s32 $0x1;
	s29 =	simm.s32 $0x2;
	s30 =	simm.s32 $0x1F00  }
0x6: {  	s31 =	simm.s32 $0x1F80;
	[smem:$0x7FF] =	sst s3;
	s4 =	sadd.s32 $0xCC00, s0  }
0x7: {  	s5 =	sand.u32 $0x1, s5;
	s6 =	smul.u32 $0x50000, s7;
	s20 =	sadd.s32 $0x2C00, s0  }
0x8: {  	s8 =	sadd.s32 $0x34C00, s0;
	s0 =	sadd.s32 $0x5CC00, s0;
	s26 =	sshll.u32 s7, $0x6  }
0x9: {  	s11 =	sshll.u32 s7, $0x9;
	_ =	strace $0x8000004A;
	[dreg:$0x4] =	wrdreg s8  }
0xa: {  	s17 =	sshll.u32 s7, $0xB;
	s24 =	ssub.s32 $0x2, s5;
	[dreg:$0x5] =	wrdreg s0  }
0xb: {  	s12 =	sor.u32 $0x8000, s11;
	s16 =	sor.u32 $0x200, s17;
	s13 =	sadd.s32 s2, s17  }
0xc: {  	s14 =	sadd.s32 s20, s17;
	s18 =	sor.u32 $0x400, s17;
	s21 =	sor.u32 $0x600, s17  }
0xd: {  	p0 =	sne.s32 s5, $0x0;
	s9 =	sshrl.u32 s24, $0x1;
	s10 =	sshrl.u32 s6, $0x2  }
0xe: {  	s6 =	smul.u32 $0x2800, s7;
	s11 =	sadd.s32 s2, s12;
	s12 =	sadd.s32 s20, s12  }
.Ltmp0:
0xf: {  	s15 =	sadd.s32 s2, s16;
	s16 =	sadd.s32 s20, s16;
	(pc) =	sbr.rel .LBB2_1-.Ltmp0, $4  }
0x10: {  	s17 =	sadd.s32 s2, s18;
	s18 =	sadd.s32 s20, s18;
	s19 =	sadd.s32 s2, s21  }
0x11: {  	s20 =	sadd.s32 s20, s21;
	s25 =	ssub.s32 s24, s9;
	s8 =	sadd.s32 s10, s1  }
0x12: {  	s10 =	sor.u32 $0x1C03, s26;
	s24 =	simm.s32 $0x80;
	s26 =	simm.s32 $0x6000  }
0x13: {  	s9 =	sadd.s32 s4, s6;
	s21 =	smax.u32 s25, $0x1;
	s25 =	simm.s32 $0x2000  }
.LBB2_13:
0x14: {  	[tilespmem:s26], [sflag:$0x2] =	stream.indirect.gather [hbm4b:s4+s24], $0x80, s5, s24, $0xb8;
	[tilespmem:$0x1E000] =	vst v63  }
0x15: {  	s2 =	rddreg [dreg:$0x5]  }
.LBB2_14:
0x16: {  	_ =	swait.ge [sflag:s28], $0x4000  }
0x17: {  	[sflag:s28] =	ssyncset.done $0x0  }
0x18: {  	[sflag:s28] =	ssyncadd.s32 $0xFFFFC000  }
0x19: {  	[spmem:s1] =	stream.indirect.scatter.add.f32 [tilespmem:s25], [sflag:$0x3], $0x80, s30, s24, $0xb8;
	[tilespmem:$0x1E000] =	vst v63  }
0x1a: {  	_ =	swait.ge [sflag:s22], $0x4000  }
0x1b: {  	[sflag:s22] =	ssyncset.done $0x0  }
0x1c: {  	[sflag:s22] =	ssyncadd.s32 $0xFFFFC000  }
0x1d: {  	_ =	swait.ge [sflag:s29], $0x4000  }
0x1e: {  	[sflag:s29] =	ssyncset.done $0x0  }
0x1f: {  	[sflag:s29] =	ssyncadd.s32 $0xFFFFC000  }
0x20: {  	[spmem:s1] =	stream.indirect.scatter.add.f32 [tilespmem:s26], [sflag:$0x3], $0x80, s31, s24, $0xb8;
	[tilespmem:$0x1E000] =	vst v63  }
0x21: {  	_ =	swait.ge [sflag:s22], $0x4000  }
0x22: {  	s3 =	sadd.s32 $0x1, s3;
	[sflag:s22] =	ssyncset.done $0x0  }
0x23: {  	p1 =	sne.s32 s3, s21;
	[sflag:s22] =	ssyncadd.s32 $0xFFFFC000  }
.Ltmp1:
0x24: {  	s2 =	sadd.s32 s2, s6;
	[bflag:$0x0] =	sbarrier.arrive $0xFFFF;
	(pc) =	sbr.rel @!p1 .LBB2_15-.Ltmp1, $4  }
0x25: {  	[hbm:s2], [sflag:s10] =	dma.local [spmem:s0], $0x2800  }
0x26: {  	_ =	swait.ge [sflag:s22], $0x2800  }
0x27: {  	[sflag:s22] =	ssyncset.done $0x0  }
0x28: {  	[sflag:s22] =	ssyncadd.s32 $0xFFFFD800  }
.LBB2_1:
0x29: {  	s0 =	sshrl.u32 s8, $0x3  }
0x2a: {  	[spmem:s0], [sflag:s10] =	dma.local [hbm:s9], $0x2800  }
.Ltmp2:
0x2b: {  	_ =	swait.ge [sflag:s22], $0x2800;
	(pc) =	sbr.rel @p0 .LBB2_11-.Ltmp2, $4  }
0x2c: {  	[sflag:s22] =	ssyncset.done $0x0  }
0x2d: {  	[sflag:s22] =	ssyncadd.s32 $0xFFFFD800  }
0x2e: {  	[bflag:$0x0] =	sbarrier.arrive $0xFFFF  }
0x2f: {  	s2 =	simm.s32 $0x0  }
0x30: {  	[tilespmem:s2], [sflag:$0x3] =	stream.linear.gather [hbm4b:s13+s2], $0x1000, $0x38;
	[tilespmem:$0x1E000] =	vst v63  }
0x31: {  	_ =	swait.ge [sflag:s22], $0x1000  }
0x32: {  	[sflag:s22] =	ssyncset.done $0x0  }
0x33: {  	[sflag:s22] =	ssyncadd.s32 $0xFFFFF000  }
0x34: {  	[tilespmem:s23], [sflag:$0x3] =	stream.linear.gather [hbm4b:s14+s2], $0x1000, $0x38;
	[tilespmem:$0x1E000] =	vst v63  }
0x35: {  	_ =	swait.ge [sflag:s22], $0x1000  }
0x36: {  	[sflag:s22] =	ssyncset.done $0x0  }
0x37: {  	[sflag:s22] =	ssyncadd.s32 $0xFFFFF000  }
0x38: {  	[tilespmem:s25], [sflag:$0x1] =	stream.indirect.gather [hbm4b:s4+s24], $0x80, s2, s24, $0xb8;
	[tilespmem:$0x1E000] =	vst v63  }
0x39: {  	_ = 	snop  }
0x3a: {  	[tilespmem:s26], [sflag:$0x2] =	stream.indirect.gather [hbm4b:s4+s24], $0x80, s24, s24, $0xb8;
	[tilespmem:$0x1E000] =	vst v63  }
0x3b: {  	_ =	swait.ge [sflag:s28], $0x4000  }
0x3c: {  	[sflag:s28] =	ssyncset.done $0x0  }
0x3d: {  	s7 =	simm.s32 $0x1000;
	[sflag:s28] =	ssyncadd.s32 $0xFFFFC000  }
0x3e: {  	[spmem:s1] =	stream.indirect.scatter.add.f32 [tilespmem:s25], [sflag:$0x3], $0x80, s7, s24, $0xb8;
	[tilespmem:$0x1E000] =	vst v63  }
0x3f: {  	_ =	swait.ge [sflag:s22], $0x4000  }
0x40: {  	[sflag:s22] =	ssyncset.done $0x0  }
0x41: {  	s5 =	simm.s32 $0x100;
	[sflag:s22] =	ssyncadd.s32 $0xFFFFC000  }
0x42: {  	[tilespmem:s25], [sflag:$0x1] =	stream.indirect.gather [hbm4b:s4+s24], $0x80, s5, s24, $0xb8;
	[tilespmem:$0x1E000] =	vst v63  }
0x43: {  	_ =	swait.ge [sflag:s29], $0x4000  }
0x44: {  	[sflag:s29] =	ssyncset.done $0x0  }
0x45: {  	s7 =	simm.s32 $0x1080;
	[sflag:s29] =	ssyncadd.s32 $0xFFFFC000  }
0x46: {  	[spmem:s1] =	stream.indirect.scatter.add.f32 [tilespmem:s26], [sflag:$0x3], $0x80, s7, s24, $0xb8;
	[tilespmem:$0x1E000] =	vst v63  }
0x47: {  	_ =	swait.ge [sflag:s22], $0x4000  }
0x48: {  	[sflag:s22] =	ssyncset.done $0x0  }
0x49: {  	s2 =	simm.s32 $0x400;
	s5 =	simm.s32 $0x180;
	[sflag:s22] =	ssyncadd.s32 $0xFFFFC000  }
.LBB2_3:
0x4a: {  	[tilespmem:s26], [sflag:$0x2] =	stream.indirect.gather [hbm4b:s4+s24], $0x80, s5, s24, $0xb8;
	[tilespmem:$0x1E000] =	vst v63  }
0x4b: {  	s5 =	smov.u32 s2  }
0x4c: {  	p1 =	sne.s32 s2, $0x3800;
	s2 =	sadd.s32 $0x400, s2;
	_ =	swait.ge [sflag:s28], $0x4000  }
0x4d: {  	s5 =	sshra.s32 s5, $0x2;
	[sflag:s28] =	ssyncset.done $0x0  }
0x4e: {  	s7 =	sadd.s32 $0x1000, s5;
	[sflag:s28] =	ssyncadd.s32 $0xFFFFC000  }
0x4f: {  	[spmem:s1] =	stream.indirect.scatter.add.f32 [tilespmem:s25], [sflag:$0x3], $0x80, s7, s24, $0xb8;
	[tilespmem:$0x1E000] =	vst v63  }
0x50: {  	_ =	swait.ge [sflag:s22], $0x4000  }
0x51: {  	[sflag:s22] =	ssyncset.done $0x0  }
0x52: {  	s7 =	sadd.s32 $0x100, s5;
	[sflag:s22] =	ssyncadd.s32 $0xFFFFC000  }
0x53: {  	[tilespmem:s25], [sflag:$0x1] =	stream.indirect.gather [hbm4b:s4+s24], $0x80, s7, s24, $0xb8;
	[tilespmem:$0x1E000] =	vst v63  }
0x54: {  	_ =	swait.ge [sflag:s29], $0x4000  }
0x55: {  	[sflag:s29] =	ssyncset.done $0x0  }
.Ltmp3:
0x56: {  	s7 =	sadd.s32 $0x1080, s5;
	[sflag:s29] =	ssyncadd.s32 $0xFFFFC000;
	(pc) =	sbr.rel @p1 .LBB2_3-.Ltmp3, $4  }
0x57: {  	[spmem:s1] =	stream.indirect.scatter.add.f32 [tilespmem:s26], [sflag:$0x3], $0x80, s7, s24, $0xb8;
	[tilespmem:$0x1E000] =	vst v63  }
0x58: {  	_ =	swait.ge [sflag:s22], $0x4000  }
0x59: {  	[sflag:s22] =	ssyncset.done $0x0  }
0x5a: {  	s5 =	sadd.s32 $0x180, s5;
	[sflag:s22] =	ssyncadd.s32 $0xFFFFC000  }
0x5b: {  	[tilespmem:s26], [sflag:$0x2] =	stream.indirect.gather [hbm4b:s4+s24], $0x80, s5, s24, $0xb8;
	[tilespmem:$0x1E000] =	vst v63  }
0x5c: {  	_ =	swait.ge [sflag:s28], $0x4000  }
0x5d: {  	[sflag:s28] =	ssyncset.done $0x0  }
0x5e: {  	[sflag:s28] =	ssyncadd.s32 $0xFFFFC000  }
0x5f: {  	[spmem:s1] =	stream.indirect.scatter.add.f32 [tilespmem:s25], [sflag:$0x3], $0x80, s30, s24, $0xb8;
	[tilespmem:$0x1E000] =	vst v63  }
0x60: {  	_ =	swait.ge [sflag:s22], $0x4000  }
0x61: {  	[sflag:s22] =	ssyncset.done $0x0  }
0x62: {  	[sflag:s22] =	ssyncadd.s32 $0xFFFFC000  }
0x63: {  	_ =	swait.ge [sflag:s29], $0x4000  }
0x64: {  	[sflag:s29] =	ssyncset.done $0x0  }
0x65: {  	[sflag:s29] =	ssyncadd.s32 $0xFFFFC000  }
0x66: {  	[spmem:s1] =	stream.indirect.scatter.add.f32 [tilespmem:s26], [sflag:$0x3], $0x80, s31, s24, $0xb8;
	[tilespmem:$0x1E000] =	vst v63  }
0x67: {  	_ =	swait.ge [sflag:s22], $0x4000  }
0x68: {  	[sflag:s22] =	ssyncset.done $0x0  }
0x69: {  	s2 =	simm.s32 $0x0;
	[sflag:s22] =	ssyncadd.s32 $0xFFFFC000  }
0x6a: {  	[tilespmem:s2], [sflag:$0x3] =	stream.linear.gather [hbm4b:s15+s2], $0x1000, $0x38;
	[tilespmem:$0x1E000] =	vst v63  }
0x6b: {  	_ =	swait.ge [sflag:s22], $0x1000  }
0x6c: {  	[sflag:s22] =	ssyncset.done $0x0  }
0x6d: {  	[sflag:s22] =	ssyncadd.s32 $0xFFFFF000  }
0x6e: {  	[tilespmem:s23], [sflag:$0x3] =	stream.linear.gather [hbm4b:s16+s2], $0x1000, $0x38;
	[tilespmem:$0x1E000] =	vst v63  }
0x6f: {  	_ =	swait.ge [sflag:s22], $0x1000  }
0x70: {  	[sflag:s22] =	ssyncset.done $0x0  }
0x71: {  	[sflag:s22] =	ssyncadd.s32 $0xFFFFF000  }
0x72: {  	[tilespmem:s25], [sflag:$0x1] =	stream.indirect.gather [hbm4b:s4+s24], $0x80, s2, s24, $0xb8;
	[tilespmem:$0x1E000] =	vst v63  }
0x73: {  	_ = 	snop  }
0x74: {  	[tilespmem:s26], [sflag:$0x2] =	stream.indirect.gather [hbm4b:s4+s24], $0x80, s24, s24, $0xb8;
	[tilespmem:$0x1E000] =	vst v63  }
0x75: {  	_ =	swait.ge [sflag:s28], $0x4000  }
0x76: {  	[sflag:s28] =	ssyncset.done $0x0  }
0x77: {  	s7 =	simm.s32 $0x1000;
	[sflag:s28] =	ssyncadd.s32 $0xFFFFC000  }
0x78: {  	[spmem:s1] =	stream.indirect.scatter.add.f32 [tilespmem:s25], [sflag:$0x3], $0x80, s7, s24, $0xb8;
	[tilespmem:$0x1E000] =	vst v63  }
0x79: {  	_ =	swait.ge [sflag:s22], $0x4000  }
0x7a: {  	[sflag:s22] =	ssyncset.done $0x0  }
0x7b: {  	s5 =	simm.s32 $0x100;
	[sflag:s22] =	ssyncadd.s32 $0xFFFFC000  }
0x7c: {  	[tilespmem:s25], [sflag:$0x1] =	stream.indirect.gather [hbm4b:s4+s24], $0x80, s5, s24, $0xb8;
	[tilespmem:$0x1E000] =	vst v63  }
0x7d: {  	_ =	swait.ge [sflag:s29], $0x4000  }
0x7e: {  	[sflag:s29] =	ssyncset.done $0x0  }
0x7f: {  	s7 =	simm.s32 $0x1080;
	[sflag:s29] =	ssyncadd.s32 $0xFFFFC000  }
0x80: {  	[spmem:s1] =	stream.indirect.scatter.add.f32 [tilespmem:s26], [sflag:$0x3], $0x80, s7, s24, $0xb8;
	[tilespmem:$0x1E000] =	vst v63  }
0x81: {  	_ =	swait.ge [sflag:s22], $0x4000  }
0x82: {  	[sflag:s22] =	ssyncset.done $0x0  }
0x83: {  	s2 =	simm.s32 $0x400;
	s5 =	simm.s32 $0x180;
	[sflag:s22] =	ssyncadd.s32 $0xFFFFC000  }
.LBB2_5:
0x84: {  	[tilespmem:s26], [sflag:$0x2] =	stream.indirect.gather [hbm4b:s4+s24], $0x80, s5, s24, $0xb8;
	[tilespmem:$0x1E000] =	vst v63  }
0x85: {  	s5 =	smov.u32 s2  }
0x86: {  	p1 =	sne.s32 s2, $0x3800;
	s2 =	sadd.s32 $0x400, s2;
	_ =	swait.ge [sflag:s28], $0x4000  }
0x87: {  	s5 =	sshra.s32 s5, $0x2;
	[sflag:s28] =	ssyncset.done $0x0  }
0x88: {  	s7 =	sadd.s32 $0x1000, s5;
	[sflag:s28] =	ssyncadd.s32 $0xFFFFC000  }
0x89: {  	[spmem:s1] =	stream.indirect.scatter.add.f32 [tilespmem:s25], [sflag:$0x3], $0x80, s7, s24, $0xb8;
	[tilespmem:$0x1E000] =	vst v63  }
0x8a: {  	_ =	swait.ge [sflag:s22], $0x4000  }
0x8b: {  	[sflag:s22] =	ssyncset.done $0x0  }
0x8c: {  	s7 =	sadd.s32 $0x100, s5;
	[sflag:s22] =	ssyncadd.s32 $0xFFFFC000  }
0x8d: {  	[tilespmem:s25], [sflag:$0x1] =	stream.indirect.gather [hbm4b:s4+s24], $0x80, s7, s24, $0xb8;
	[tilespmem:$0x1E000] =	vst v63  }
0x8e: {  	_ =	swait.ge [sflag:s29], $0x4000  }
0x8f: {  	[sflag:s29] =	ssyncset.done $0x0  }
.Ltmp4:
0x90: {  	s7 =	sadd.s32 $0x1080, s5;
	[sflag:s29] =	ssyncadd.s32 $0xFFFFC000;
	(pc) =	sbr.rel @p1 .LBB2_5-.Ltmp4, $4  }
0x91: {  	[spmem:s1] =	stream.indirect.scatter.add.f32 [tilespmem:s26], [sflag:$0x3], $0x80, s7, s24, $0xb8;
	[tilespmem:$0x1E000] =	vst v63  }
0x92: {  	_ =	swait.ge [sflag:s22], $0x4000  }
0x93: {  	[sflag:s22] =	ssyncset.done $0x0  }
0x94: {  	s5 =	sadd.s32 $0x180, s5;
	[sflag:s22] =	ssyncadd.s32 $0xFFFFC000  }
0x95: {  	[tilespmem:s26], [sflag:$0x2] =	stream.indirect.gather [hbm4b:s4+s24], $0x80, s5, s24, $0xb8;
	[tilespmem:$0x1E000] =	vst v63  }
0x96: {  	_ =	swait.ge [sflag:s28], $0x4000  }
0x97: {  	[sflag:s28] =	ssyncset.done $0x0  }
0x98: {  	[sflag:s28] =	ssyncadd.s32 $0xFFFFC000  }
0x99: {  	[spmem:s1] =	stream.indirect.scatter.add.f32 [tilespmem:s25], [sflag:$0x3], $0x80, s30, s24, $0xb8;
	[tilespmem:$0x1E000] =	vst v63  }
0x9a: {  	_ =	swait.ge [sflag:s22], $0x4000  }
0x9b: {  	[sflag:s22] =	ssyncset.done $0x0  }
0x9c: {  	[sflag:s22] =	ssyncadd.s32 $0xFFFFC000  }
0x9d: {  	_ =	swait.ge [sflag:s29], $0x4000  }
0x9e: {  	[sflag:s29] =	ssyncset.done $0x0  }
0x9f: {  	[sflag:s29] =	ssyncadd.s32 $0xFFFFC000  }
0xa0: {  	[spmem:s1] =	stream.indirect.scatter.add.f32 [tilespmem:s26], [sflag:$0x3], $0x80, s31, s24, $0xb8;
	[tilespmem:$0x1E000] =	vst v63  }
0xa1: {  	_ =	swait.ge [sflag:s22], $0x4000  }
0xa2: {  	[sflag:s22] =	ssyncset.done $0x0  }
0xa3: {  	s2 =	simm.s32 $0x0;
	[sflag:s22] =	ssyncadd.s32 $0xFFFFC000  }
0xa4: {  	[tilespmem:s2], [sflag:$0x3] =	stream.linear.gather [hbm4b:s17+s2], $0x1000, $0x38;
	[tilespmem:$0x1E000] =	vst v63  }
0xa5: {  	_ =	swait.ge [sflag:s22], $0x1000  }
0xa6: {  	[sflag:s22] =	ssyncset.done $0x0  }
0xa7: {  	[sflag:s22] =	ssyncadd.s32 $0xFFFFF000  }
0xa8: {  	[tilespmem:s23], [sflag:$0x3] =	stream.linear.gather [hbm4b:s18+s2], $0x1000, $0x38;
	[tilespmem:$0x1E000] =	vst v63  }
0xa9: {  	_ =	swait.ge [sflag:s22], $0x1000  }
0xaa: {  	[sflag:s22] =	ssyncset.done $0x0  }
0xab: {  	[sflag:s22] =	ssyncadd.s32 $0xFFFFF000  }
0xac: {  	[tilespmem:s25], [sflag:$0x1] =	stream.indirect.gather [hbm4b:s4+s24], $0x80, s2, s24, $0xb8;
	[tilespmem:$0x1E000] =	vst v63  }
0xad: {  	_ = 	snop  }
0xae: {  	[tilespmem:s26], [sflag:$0x2] =	stream.indirect.gather [hbm4b:s4+s24], $0x80, s24, s24, $0xb8;
	[tilespmem:$0x1E000] =	vst v63  }
0xaf: {  	_ =	swait.ge [sflag:s28], $0x4000  }
0xb0: {  	[sflag:s28] =	ssyncset.done $0x0  }
0xb1: {  	s7 =	simm.s32 $0x1000;
	[sflag:s28] =	ssyncadd.s32 $0xFFFFC000  }
0xb2: {  	[spmem:s1] =	stream.indirect.scatter.add.f32 [tilespmem:s25], [sflag:$0x3], $0x80, s7, s24, $0xb8;
	[tilespmem:$0x1E000] =	vst v63  }
0xb3: {  	_ =	swait.ge [sflag:s22], $0x4000  }
0xb4: {  	[sflag:s22] =	ssyncset.done $0x0  }
0xb5: {  	s5 =	simm.s32 $0x100;
	[sflag:s22] =	ssyncadd.s32 $0xFFFFC000  }
0xb6: {  	[tilespmem:s25], [sflag:$0x1] =	stream.indirect.gather [hbm4b:s4+s24], $0x80, s5, s24, $0xb8;
	[tilespmem:$0x1E000] =	vst v63  }
0xb7: {  	_ =	swait.ge [sflag:s29], $0x4000  }
0xb8: {  	[sflag:s29] =	ssyncset.done $0x0  }
0xb9: {  	s7 =	simm.s32 $0x1080;
	[sflag:s29] =	ssyncadd.s32 $0xFFFFC000  }
0xba: {  	[spmem:s1] =	stream.indirect.scatter.add.f32 [tilespmem:s26], [sflag:$0x3], $0x80, s7, s24, $0xb8;
	[tilespmem:$0x1E000] =	vst v63  }
0xbb: {  	_ =	swait.ge [sflag:s22], $0x4000  }
0xbc: {  	[sflag:s22] =	ssyncset.done $0x0  }
0xbd: {  	s2 =	simm.s32 $0x400;
	s5 =	simm.s32 $0x180;
	[sflag:s22] =	ssyncadd.s32 $0xFFFFC000  }
.LBB2_7:
0xbe: {  	[tilespmem:s26], [sflag:$0x2] =	stream.indirect.gather [hbm4b:s4+s24], $0x80, s5, s24, $0xb8;
	[tilespmem:$0x1E000] =	vst v63  }
0xbf: {  	s5 =	smov.u32 s2  }
0xc0: {  	p1 =	sne.s32 s2, $0x3800;
	s2 =	sadd.s32 $0x400, s2;
	_ =	swait.ge [sflag:s28], $0x4000  }
0xc1: {  	s5 =	sshra.s32 s5, $0x2;
	[sflag:s28] =	ssyncset.done $0x0  }
0xc2: {  	s7 =	sadd.s32 $0x1000, s5;
	[sflag:s28] =	ssyncadd.s32 $0xFFFFC000  }
0xc3: {  	[spmem:s1] =	stream.indirect.scatter.add.f32 [tilespmem:s25], [sflag:$0x3], $0x80, s7, s24, $0xb8;
	[tilespmem:$0x1E000] =	vst v63  }
0xc4: {  	_ =	swait.ge [sflag:s22], $0x4000  }
0xc5: {  	[sflag:s22] =	ssyncset.done $0x0  }
0xc6: {  	s7 =	sadd.s32 $0x100, s5;
	[sflag:s22] =	ssyncadd.s32 $0xFFFFC000  }
0xc7: {  	[tilespmem:s25], [sflag:$0x1] =	stream.indirect.gather [hbm4b:s4+s24], $0x80, s7, s24, $0xb8;
	[tilespmem:$0x1E000] =	vst v63  }
0xc8: {  	_ =	swait.ge [sflag:s29], $0x4000  }
0xc9: {  	[sflag:s29] =	ssyncset.done $0x0  }
.Ltmp5:
0xca: {  	s7 =	sadd.s32 $0x1080, s5;
	[sflag:s29] =	ssyncadd.s32 $0xFFFFC000;
	(pc) =	sbr.rel @p1 .LBB2_7-.Ltmp5, $4  }
0xcb: {  	[spmem:s1] =	stream.indirect.scatter.add.f32 [tilespmem:s26], [sflag:$0x3], $0x80, s7, s24, $0xb8;
	[tilespmem:$0x1E000] =	vst v63  }
0xcc: {  	_ =	swait.ge [sflag:s22], $0x4000  }
0xcd: {  	[sflag:s22] =	ssyncset.done $0x0  }
0xce: {  	s5 =	sadd.s32 $0x180, s5;
	[sflag:s22] =	ssyncadd.s32 $0xFFFFC000  }
0xcf: {  	[tilespmem:s26], [sflag:$0x2] =	stream.indirect.gather [hbm4b:s4+s24], $0x80, s5, s24, $0xb8;
	[tilespmem:$0x1E000] =	vst v63  }
0xd0: {  	_ =	swait.ge [sflag:s28], $0x4000  }
0xd1: {  	[sflag:s28] =	ssyncset.done $0x0  }
0xd2: {  	[sflag:s28] =	ssyncadd.s32 $0xFFFFC000  }
0xd3: {  	[spmem:s1] =	stream.indirect.scatter.add.f32 [tilespmem:s25], [sflag:$0x3], $0x80, s30, s24, $0xb8;
	[tilespmem:$0x1E000] =	vst v63  }
0xd4: {  	_ =	swait.ge [sflag:s22], $0x4000  }
0xd5: {  	[sflag:s22] =	ssyncset.done $0x0  }
0xd6: {  	[sflag:s22] =	ssyncadd.s32 $0xFFFFC000  }
0xd7: {  	_ =	swait.ge [sflag:s29], $0x4000  }
0xd8: {  	[sflag:s29] =	ssyncset.done $0x0  }
0xd9: {  	[sflag:s29] =	ssyncadd.s32 $0xFFFFC000  }
0xda: {  	[spmem:s1] =	stream.indirect.scatter.add.f32 [tilespmem:s26], [sflag:$0x3], $0x80, s31, s24, $0xb8;
	[tilespmem:$0x1E000] =	vst v63  }
0xdb: {  	_ =	swait.ge [sflag:s22], $0x4000  }
0xdc: {  	[sflag:s22] =	ssyncset.done $0x0  }
0xdd: {  	s2 =	simm.s32 $0x0;
	[sflag:s22] =	ssyncadd.s32 $0xFFFFC000  }
0xde: {  	[tilespmem:s2], [sflag:$0x3] =	stream.linear.gather [hbm4b:s19+s2], $0x1000, $0x38;
	[tilespmem:$0x1E000] =	vst v63  }
0xdf: {  	_ =	swait.ge [sflag:s22], $0x1000  }
0xe0: {  	[sflag:s22] =	ssyncset.done $0x0  }
0xe1: {  	[sflag:s22] =	ssyncadd.s32 $0xFFFFF000  }
0xe2: {  	[tilespmem:s23], [sflag:$0x3] =	stream.linear.gather [hbm4b:s20+s2], $0x1000, $0x38;
	[tilespmem:$0x1E000] =	vst v63  }
0xe3: {  	_ =	swait.ge [sflag:s22], $0x1000  }
0xe4: {  	[sflag:s22] =	ssyncset.done $0x0  }
0xe5: {  	[sflag:s22] =	ssyncadd.s32 $0xFFFFF000  }
0xe6: {  	[tilespmem:s25], [sflag:$0x1] =	stream.indirect.gather [hbm4b:s4+s24], $0x80, s2, s24, $0xb8;
	[tilespmem:$0x1E000] =	vst v63  }
0xe7: {  	_ = 	snop  }
0xe8: {  	[tilespmem:s26], [sflag:$0x2] =	stream.indirect.gather [hbm4b:s4+s24], $0x80, s24, s24, $0xb8;
	[tilespmem:$0x1E000] =	vst v63  }
0xe9: {  	_ =	swait.ge [sflag:s28], $0x4000  }
0xea: {  	[sflag:s28] =	ssyncset.done $0x0  }
0xeb: {  	s7 =	simm.s32 $0x1000;
	[sflag:s28] =	ssyncadd.s32 $0xFFFFC000  }
0xec: {  	[spmem:s1] =	stream.indirect.scatter.add.f32 [tilespmem:s25], [sflag:$0x3], $0x80, s7, s24, $0xb8;
	[tilespmem:$0x1E000] =	vst v63  }
0xed: {  	_ =	swait.ge [sflag:s22], $0x4000  }
0xee: {  	[sflag:s22] =	ssyncset.done $0x0  }
0xef: {  	s5 =	simm.s32 $0x100;
	[sflag:s22] =	ssyncadd.s32 $0xFFFFC000  }
0xf0: {  	[tilespmem:s25], [sflag:$0x1] =	stream.indirect.gather [hbm4b:s4+s24], $0x80, s5, s24, $0xb8;
	[tilespmem:$0x1E000] =	vst v63  }
0xf1: {  	_ =	swait.ge [sflag:s29], $0x4000  }
0xf2: {  	[sflag:s29] =	ssyncset.done $0x0  }
0xf3: {  	s7 =	simm.s32 $0x1080;
	[sflag:s29] =	ssyncadd.s32 $0xFFFFC000  }
0xf4: {  	[spmem:s1] =	stream.indirect.scatter.add.f32 [tilespmem:s26], [sflag:$0x3], $0x80, s7, s24, $0xb8;
	[tilespmem:$0x1E000] =	vst v63  }
0xf5: {  	_ =	swait.ge [sflag:s22], $0x4000  }
0xf6: {  	[sflag:s22] =	ssyncset.done $0x0  }
0xf7: {  	s2 =	simm.s32 $0x400;
	s5 =	simm.s32 $0x180;
	[sflag:s22] =	ssyncadd.s32 $0xFFFFC000  }
.LBB2_9:
0xf8: {  	[tilespmem:s26], [sflag:$0x2] =	stream.indirect.gather [hbm4b:s4+s24], $0x80, s5, s24, $0xb8;
	[tilespmem:$0x1E000] =	vst v63  }
0xf9: {  	s5 =	smov.u32 s2  }
0xfa: {  	p1 =	seq.s32 s2, $0x3800;
	s2 =	sadd.s32 $0x400, s2;
	_ =	swait.ge [sflag:s28], $0x4000  }
0xfb: {  	s5 =	sshra.s32 s5, $0x2;
	[sflag:s28] =	ssyncset.done $0x0  }
0xfc: {  	s7 =	sadd.s32 $0x1000, s5;
	[sflag:s28] =	ssyncadd.s32 $0xFFFFC000  }
0xfd: {  	[spmem:s1] =	stream.indirect.scatter.add.f32 [tilespmem:s25], [sflag:$0x3], $0x80, s7, s24, $0xb8;
	[tilespmem:$0x1E000] =	vst v63  }
0xfe: {  	_ =	swait.ge [sflag:s22], $0x4000  }
0xff: {  	[sflag:s22] =	ssyncset.done $0x0  }
0x100: {  	s7 =	sadd.s32 $0x100, s5;
	[sflag:s22] =	ssyncadd.s32 $0xFFFFC000  }
0x101: {  	[tilespmem:s25], [sflag:$0x1] =	stream.indirect.gather [hbm4b:s4+s24], $0x80, s7, s24, $0xb8;
	[tilespmem:$0x1E000] =	vst v63  }
0x102: {  	_ =	swait.ge [sflag:s29], $0x4000  }
0x103: {  	[sflag:s29] =	ssyncset.done $0x0  }
.Ltmp6:
0x104: {  	s7 =	sadd.s32 $0x1080, s5;
	[sflag:s29] =	ssyncadd.s32 $0xFFFFC000;
	(pc) =	sbr.rel @!p1 .LBB2_9-.Ltmp6, $4  }
0x105: {  	[spmem:s1] =	stream.indirect.scatter.add.f32 [tilespmem:s26], [sflag:$0x3], $0x80, s7, s24, $0xb8;
	[tilespmem:$0x1E000] =	vst v63  }
0x106: {  	_ =	swait.ge [sflag:s22], $0x4000  }
0x107: {  	[sflag:s22] =	ssyncset.done $0x0  }
0x108: {  	s5 =	sadd.s32 $0x180, s5;
	[sflag:s22] =	ssyncadd.s32 $0xFFFFC000  }
.Ltmp7:
0x109: {  	(pc) =	sbr.rel .LBB2_14-.Ltmp7, $3  }
0x10a: {  	_ =	sdelay $0x1  }
0x10b: {  	[tilespmem:s26], [sflag:$0x2] =	stream.indirect.gather [hbm4b:s4+s24], $0x80, s5, s24, $0xb8;
	[tilespmem:$0x1E000] =	vst v63  }
0x10c: {  	s2 =	rddreg [dreg:$0x4]  }
.LBB2_11:
0x10d: {  	[tilespmem:s2], [sflag:$0x3] =	stream.linear.gather [hbm4b:s11+s2], $0x1000, $0x38;
	[tilespmem:$0x1E000] =	vst v63  }
0x10e: {  	_ =	swait.ge [sflag:s22], $0x1000  }
0x10f: {  	[sflag:s22] =	ssyncset.done $0x0  }
0x110: {  	[sflag:s22] =	ssyncadd.s32 $0xFFFFF000  }
0x111: {  	[tilespmem:s23], [sflag:$0x3] =	stream.linear.gather [hbm4b:s12+s2], $0x1000, $0x38;
	[tilespmem:$0x1E000] =	vst v63  }
0x112: {  	_ =	swait.ge [sflag:s22], $0x1000  }
0x113: {  	[sflag:s22] =	ssyncset.done $0x0  }
0x114: {  	[sflag:s22] =	ssyncadd.s32 $0xFFFFF000  }
0x115: {  	[tilespmem:s25], [sflag:$0x1] =	stream.indirect.gather [hbm4b:s4+s24], $0x80, s2, s24, $0xb8;
	[tilespmem:$0x1E000] =	vst v63  }
0x116: {  	_ = 	snop  }
0x117: {  	[tilespmem:s26], [sflag:$0x2] =	stream.indirect.gather [hbm4b:s4+s24], $0x80, s24, s24, $0xb8;
	[tilespmem:$0x1E000] =	vst v63  }
0x118: {  	_ =	swait.ge [sflag:s28], $0x4000  }
0x119: {  	[sflag:s28] =	ssyncset.done $0x0  }
0x11a: {  	s7 =	simm.s32 $0x1000;
	[sflag:s28] =	ssyncadd.s32 $0xFFFFC000  }
0x11b: {  	[spmem:s1] =	stream.indirect.scatter.add.f32 [tilespmem:s25], [sflag:$0x3], $0x80, s7, s24, $0xb8;
	[tilespmem:$0x1E000] =	vst v63  }
0x11c: {  	_ =	swait.ge [sflag:s22], $0x4000  }
0x11d: {  	[sflag:s22] =	ssyncset.done $0x0  }
0x11e: {  	s5 =	simm.s32 $0x100;
	[sflag:s22] =	ssyncadd.s32 $0xFFFFC000  }
0x11f: {  	[tilespmem:s25], [sflag:$0x1] =	stream.indirect.gather [hbm4b:s4+s24], $0x80, s5, s24, $0xb8;
	[tilespmem:$0x1E000] =	vst v63  }
0x120: {  	_ =	swait.ge [sflag:s29], $0x4000  }
0x121: {  	[sflag:s29] =	ssyncset.done $0x0  }
0x122: {  	s7 =	simm.s32 $0x1080;
	[sflag:s29] =	ssyncadd.s32 $0xFFFFC000  }
0x123: {  	[spmem:s1] =	stream.indirect.scatter.add.f32 [tilespmem:s26], [sflag:$0x3], $0x80, s7, s24, $0xb8;
	[tilespmem:$0x1E000] =	vst v63  }
0x124: {  	_ =	swait.ge [sflag:s22], $0x4000  }
0x125: {  	[sflag:s22] =	ssyncset.done $0x0  }
0x126: {  	s2 =	simm.s32 $0x400;
	s5 =	simm.s32 $0x180;
	[sflag:s22] =	ssyncadd.s32 $0xFFFFC000  }
.LBB2_12:
0x127: {  	[tilespmem:s26], [sflag:$0x2] =	stream.indirect.gather [hbm4b:s4+s24], $0x80, s5, s24, $0xb8;
	[tilespmem:$0x1E000] =	vst v63  }
0x128: {  	s5 =	smov.u32 s2  }
0x129: {  	p1 =	sne.s32 s2, $0x3800;
	s2 =	sadd.s32 $0x400, s2;
	_ =	swait.ge [sflag:s28], $0x4000  }
0x12a: {  	s5 =	sshra.s32 s5, $0x2;
	[sflag:s28] =	ssyncset.done $0x0  }
0x12b: {  	s7 =	sadd.s32 $0x1000, s5;
	[sflag:s28] =	ssyncadd.s32 $0xFFFFC000  }
0x12c: {  	[spmem:s1] =	stream.indirect.scatter.add.f32 [tilespmem:s25], [sflag:$0x3], $0x80, s7, s24, $0xb8;
	[tilespmem:$0x1E000] =	vst v63  }
0x12d: {  	_ =	swait.ge [sflag:s22], $0x4000  }
0x12e: {  	[sflag:s22] =	ssyncset.done $0x0  }
0x12f: {  	s7 =	sadd.s32 $0x100, s5;
	[sflag:s22] =	ssyncadd.s32 $0xFFFFC000  }
0x130: {  	[tilespmem:s25], [sflag:$0x1] =	stream.indirect.gather [hbm4b:s4+s24], $0x80, s7, s24, $0xb8;
	[tilespmem:$0x1E000] =	vst v63  }
0x131: {  	_ =	swait.ge [sflag:s29], $0x4000  }
0x132: {  	[sflag:s29] =	ssyncset.done $0x0  }
.Ltmp8:
0x133: {  	s7 =	sadd.s32 $0x1080, s5;
	[sflag:s29] =	ssyncadd.s32 $0xFFFFC000;
	(pc) =	sbr.rel @p1 .LBB2_12-.Ltmp8, $4  }
0x134: {  	[spmem:s1] =	stream.indirect.scatter.add.f32 [tilespmem:s26], [sflag:$0x3], $0x80, s7, s24, $0xb8;
	[tilespmem:$0x1E000] =	vst v63  }
0x135: {  	_ =	swait.ge [sflag:s22], $0x4000  }
0x136: {  	[sflag:s22] =	ssyncset.done $0x0  }
0x137: {  	s5 =	sadd.s32 $0x180, s5;
	[sflag:s22] =	ssyncadd.s32 $0xFFFFC000  }
.Ltmp9:
0x138: {  	_ = 	snop;
	(pc) =	sbr.rel .LBB2_13-.Ltmp9, $1  }
0x139: {  	_ =	sdelay $0x3  }
.LBB2_15:
0x13a: {  	_ =	sfence.sel $0x180000  }
0x13b: {  	[bflag:$0x0] =	sbarrier.arrive $0xFFFF  }
0x13c: {  	_ =	strace $0x9000004A  }
0x13d: {  	s0 =	stileid.u32;
	[bflag:$0x2] =	sbarrier.arrive $0xFFFF  }
0x13e: {  	p0 =	sne.s32 s0, $0x0;
	s0 =	rddreg [dreg:$0x3]  }
0x13f: {  	s0 =	sadd.s32 @!p0 $0x100000, s0  }
0x140: {  	[sflag:s0] =	ssyncadd.tile.s32 @!p0 $0x1;
	_ =	shalt  }
.Lfunc_end2:
_tile_overlayer_lowered:
.L_overlay_start_2:
0x141: {  	(tag) =	ssettag $0x2  }
0x142: {  	s0 =	rddreg [dreg:$0x0];
	s2 =	stileid.u32  }
0x143: {  	s1 =	rddreg [dreg:$0x1];
	p0 =	sne.s32 s2, $0x0  }
0x144: {  	s3 =	rddreg [dreg:$0x2];
	[bflag:$0x3] =	sbarrier.arrive $0xFFFF;
	s2 =	simm.s32 @!p0 $0x1C03  }
0x145: {  	[timem:s3], [sflag:s2] =	dma.local @!p0 [hbm:s0], s1  }
0x146: {  	s0 =	simm.s32 @!p0 $0x3  }
0x147: {  	_ =	swait.ge @!p0 [sflag:s0], s1  }
0x148: {  	s1 =	ssub.s32 @!p0 $0x0, s1;
	[sflag:s0] =	ssyncset.done @!p0 $0x0  }
0x149: {  	[sflag:s0] =	ssyncadd.s32 @!p0 s1  }
0x14a: {  	[bflag:$0x3] =	sbarrier.arrive $0xFFFF  }
0x14b: {  	_ =	shalt  }

// kernel: kernel.7.cloned.1.call-start
scs
__scs_entry_jumppad:
0x0: {  	(pc) =	sbr.rel $0x88, $3  }
0x1: {  	(tag) =	ssettag $0x0;
	lr =	simm.s32 $0x1  }
0x2: {  	[smem:$0x3F9D] =	sst lr;
	_ =	strace $0xD0000000  }
0x3: {  	_ = 	snop  }
0x4: {  	_ = 	snop  }
0x5: {  	_ = 	snop  }
0x6: {  	_ = 	snop  }
0x7: {  	_ = 	snop  }
__scs_overlays_trampoline_lowered:
0x8: {  	[smem:$0x3FAC] =	sst s0  }
0x9: {  	[smem:$0x3FAD] =	sst s1  }
0xa: {  	[smem:$0x3FAE] =	sst s2  }
0xb: {  	[smem:$0x3FAF] =	sst s3  }
0xc: {  	[smem:$0x3FB0] =	sst s4  }
0xd: {  	[smem:$0x3FB1] =	sst s5  }
0xe: {  	[smem:$0x3FB2] =	sst s6  }
0xf: {  	[smem:$0x3FB3] =	sst s7  }
0x10: {  	[smem:$0x3FB4] =	sst s8  }
0x11: {  	[smem:$0x3FB5] =	sst s9;
	s0 =	simm.s32 @!p0 $0x0  }
0x12: {  	s1 =	sld [smem:$0x3F9B];
	s0 =	simm.s32 @p0 $0x1  }
0x13: {  	[smem:$0x3FB6] =	sst s0;
	s0 =	simm.s32 @!p1 $0x0  }
0x14: {  	s2 =	sld [smem:$0x3F9A];
	s0 =	simm.s32 @p1 $0x1  }
0x15: {  	[smem:$0x3FB7] =	sst s0;
	s0 =	simm.s32 @!p2 $0x0  }
0x16: {  	s3 =	sld [smem:$0x3FDB];
	s0 =	simm.s32 @p2 $0x1  }
0x17: {  	s4 =	simm.s32 $0x1BF5;
	[smem:$0x3FB9] =	sst s0  }
0x18: {  	s0 =	sld [smem:$0x3F9C];
	_ =	swait.ge [sflag:s4], $0x0  }
0x19: {  	s7 =	sld [smem:$0x3F9D]  }
0x1a: {  	s8 =	sadd.s32 $0xFFFFE003, lr  }
0x1b: {  	s9 =	sadd.s32 $0xFFFFFEF7, lr;
	s5 =	simm.s32 $0xFFFFFFFF;
	p2 =	slt.u32 s8, $0xFFFFF086  }
0x1c: {  	p1 =	slt.u32 s9, $0xF7A;
	s5 =	simm.s32 @!p2 $0x0  }
0x1d: {  	s5 =	simm.s32 @p1 $0x1;
	p0 =	seq.s32 s7, s2  }
0x1e: {  	s7 =	smul.u32 @!p0 $0xF7A, s2;
	p2 =	seq.s32 @!p0 s5, $0x0  }
0x1f: {  	s9 =	smul.u32 $0xF7A, s1;
	s8 =	simm.s32 @!p0 $0x1BF5;
	p2 =	por !p2, p0  }
0x20: {  	[sflag:s8] =	ssyncset.s32 @!p0 $0xFFFFF086;
	s6 =	sadd.s32 @!p0 s3, s7;
	s7 =	simm.s32 @!p0 $0x108  }
0x21: {  	s3 =	sadd.s32 s3, s9;
	s6 =	sadd.s32 @!p0 $0x88, s6;
	s7 =	simm.s32 @p2 $0x1082  }
0x22: {  	[simem:s7], [sflag:s8] =	dma.local @!p0 [hbm:s6], $0xF7A  }
0x23: {  	s9 =	sor.u32 $0xD0000000, s2;
	s6 =	simm.s32 $0x108;
	_ =	swait.ge @!p0 [sflag:s8], $0x0  }
0x24: {  	s3 =	sadd.s32 $0x88, s3;
	s6 =	simm.s32 @!p1 $0x1082;
	[sflag:s4] =	ssyncset.s32 $0xFFFFF086  }
0x25: {  	[simem:s6], [sflag:s4] =	dma.local [hbm:s3], $0xF7A  }
0x26: {  	[smem:$0x3F9D] =	sst s1;
	(tag) =	ssettag s2;
	_ =	strace s9  }
0x27: {  	s1 =	sld [smem:$0x3FAD]  }
0x28: {  	s2 =	sld [smem:$0x3FAE]  }
0x29: {  	s4 =	sld [smem:$0x3FB0]  }
0x2a: {  	p0 =	seq.s32 s5, $0x0;
	s5 =	sld [smem:$0x3FB1]  }
0x2b: {  	s6 =	sld [smem:$0x3FB2]  }
0x2c: {  	s7 =	sld [smem:$0x3FB3]  }
0x2d: {  	s3 =	simm.s32 $0x108;
	s8 =	sld [smem:$0x3FB4]  }
0x2e: {  	s3 =	simm.s32 @!p0 $0x1082;
	s9 =	sld [smem:$0x3FB5]  }
0x2f: {  	lr =	sadd.s32 s0, s3;
	s0 =	sld [smem:$0x3FAC]  }
0x30: {  	s3 =	sld [smem:$0x3FAF]  }
0x31: {  	[smem:$0x3FB8] =	sst s10  }
0x32: {  	s10 =	sld [smem:$0x3FB6];
	_ =	sdelay $0x3  }
0x33: {  	p0 =	seq.s32 s10, $0x1;
	s10 =	sld [smem:$0x3FB8];
	_ =	sdelay $0x3  }
0x34: {  	[smem:$0x3FB8] =	sst s10  }
0x35: {  	s10 =	sld [smem:$0x3FB7];
	_ =	sdelay $0x3  }
0x36: {  	p1 =	seq.s32 s10, $0x1;
	s10 =	sld [smem:$0x3FB8];
	_ =	sdelay $0x3  }
0x37: {  	[smem:$0x3FB8] =	sst s10  }
0x38: {  	s10 =	sld [smem:$0x3FB9]  }
0x39: {  	_ = 	snop;
	(pc) =	sbr.ind lr, $3  }
0x3a: {  	_ = 	snop  }
0x3b: {  	_ = 	snop  }
0x3c: {  	p2 =	seq.s32 s10, $0x1;
	s10 =	sld [smem:$0x3FB8]  }
0x3d: {  	_ =	shalt  }
0x3e: {  	_ =	shalt  }
0x3f: {  	_ =	shalt  }
0x40: {  	_ =	shalt  }
0x41: {  	_ =	shalt  }
0x42: {  	_ =	shalt  }
0x43: {  	_ =	shalt  }
0x44: {  	_ =	shalt  }
0x45: {  	_ =	shalt  }
0x46: {  	_ =	shalt  }
0x47: {  	_ =	shalt  }
0x48: {  	_ =	shalt  }
0x49: {  	_ =	shalt  }
0x4a: {  	_ =	shalt  }
0x4b: {  	_ =	shalt  }
0x4c: {  	_ =	shalt  }
0x4d: {  	_ =	shalt  }
0x4e: {  	_ =	shalt  }
0x4f: {  	_ =	shalt  }
0x50: {  	_ =	shalt  }
0x51: {  	_ =	shalt  }
0x52: {  	_ =	shalt  }
0x53: {  	_ =	shalt  }
0x54: {  	_ =	shalt  }
0x55: {  	_ =	shalt  }
0x56: {  	_ =	shalt  }
0x57: {  	_ =	shalt  }
0x58: {  	_ =	shalt  }
0x59: {  	_ =	shalt  }
0x5a: {  	_ =	shalt  }
0x5b: {  	_ =	shalt  }
0x5c: {  	_ =	shalt  }
0x5d: {  	_ =	shalt  }
0x5e: {  	_ =	shalt  }
0x5f: {  	_ =	shalt  }
0x60: {  	_ =	shalt  }
0x61: {  	_ =	shalt  }
0x62: {  	_ =	shalt  }
0x63: {  	_ =	shalt  }
0x64: {  	_ =	shalt  }
0x65: {  	_ =	shalt  }
0x66: {  	_ =	shalt  }
0x67: {  	_ =	shalt  }
0x68: {  	_ =	shalt  }
0x69: {  	_ =	shalt  }
0x6a: {  	_ =	shalt  }
0x6b: {  	_ =	shalt  }
0x6c: {  	_ =	shalt  }
0x6d: {  	_ =	shalt  }
0x6e: {  	_ =	shalt  }
0x6f: {  	_ =	shalt  }
0x70: {  	_ =	shalt  }
0x71: {  	_ =	shalt  }
0x72: {  	_ =	shalt  }
0x73: {  	_ =	shalt  }
0x74: {  	_ =	shalt  }
0x75: {  	_ =	shalt  }
0x76: {  	_ =	shalt  }
0x77: {  	_ =	shalt  }
0x78: {  	_ =	shalt  }
0x79: {  	_ =	shalt  }
0x7a: {  	_ =	shalt  }
0x7b: {  	_ =	shalt  }
0x7c: {  	_ =	shalt  }
0x7d: {  	_ =	shalt  }
0x7e: {  	_ =	shalt  }
0x7f: {  	_ =	shalt  }
0x80: {  	_ =	shalt  }
0x81: {  	_ =	shalt  }
0x82: {  	_ =	shalt  }
0x83: {  	_ =	shalt  }
0x84: {  	_ =	shalt  }
0x85: {  	_ =	shalt  }
0x86: {  	_ =	shalt  }
0x87: {  	_ =	shalt  }
.Lfunc_end0:
.L_simem_size_0:
called_computation_lowered:
.L_overlay_start_0:
0x88: {  	s2 =	sld [smem:$0x3FD9]  }
0x89: {  	s3 =	sld [smem:$0x3FFE];
	_ =	sdelay $0x1  }
0x8a: {  	s1 =	srdreg.scid  }
0x8b: {  	s0 =	sand.u32 $0x1, s1  }
0x8c: {  	s16 =	sshll.u32 s0, $0xA;
	s2 =	sadd.s32 s3, s2  }
0x8d: {  	s2 =	sadd.s32 s2, s16  }
0x8e: {  	[smem:$0x3FC4] =	sst s2  }
0x8f: {  	_ = 	snop  }
0x90: {  	(tm) =	ssettm $0x1  }
0x91: {  	s17 =	sld [smem:$0x3FFB];
	_ =	sdelay $0x3  }
0x92: {  	_ =	strace s17  }
0x93: {  	s2 =	sld [smem:$0x3FFC];
	_ =	sdelay $0x3  }
0x94: {  	_ =	strace s2  }
0x95: {  	s2 =	sld [smem:$0x3FFD];
	_ =	sdelay $0x3  }
0x96: {  	_ =	strace s2  }
0x97: {  	_ =	strace $0x8FFFFFFF  }
0x98: {  	s18 =	sld [smem:$0x3FDB];
	_ =	sdelay $0x1  }
0x99: {  	s19 =	simm.s32 $_scs_section_size  }
0x9a: {  	s4 =	simm.s32 $_size__tile_overlayer_lowered;
	s5 =	simm.s32 $_tile_overlayer_lowered  }
0x9b: {  	s22 =	simm.s32 $0x1BFF;
	s21 =	sshll.u32 s5, $0x1;
	s2 =	sadd.s32 s19, s18  }
0x9c: {  	s6 =	simm.s32 $0x0;
	s20 =	sshll.u32 s4, $0x1;
	s4 =	sadd.s32 s21, s2  }
0x9d: {  	[timem:s6], [sflag:s22] =	dma.local [hbm:s4], s20  }
0x9e: {  	_ =	swait.ge [sflag:s22], s20  }
0x9f: {  	s3 =	ssub.s32 $0x0, s20;
	[sflag:s22] =	ssyncset.done $0x0  }
0xa0: {  	[sflag:s22] =	ssyncadd.s32 s3;
	_ =	sdelay $0x1  }
0xa1: {  	s23 =	simm.s32 $0x1B8B  }
0xa2: {  	_ =	swait.ge [sflag:s23], $0x1  }
0xa3: {  	[sflag:s23] =	ssyncset.done $0x0  }
0xa4: {  	s25 =	simm.s32 $0x1B8E;
	s24 =	sld [smem:$0x3FFE];
	[sflag:s23] =	ssyncadd.s32 $0xFFFFFFFF  }
0xa5: {  	s26 =	simm.s32 $execute0_lowered;
	[smem:$0x3FD2] =	sst s25  }
0xa6: {  	s4 =	sshll.u32 s26, $0x1;
	_ =	strace $0x80000046;
	[dreg:$0x1] =	wrdreg $0xFFFFFFFF  }
0xa7: {  	s28 =	simm.s32 $_size_execute0_lowered;
	s2 =	sadd.s32 s2, s4;
	[dreg:$0x0] =	wrdreg $0x0  }
0xa8: {  	s4 =	sshll.u32 s28, $0x1;
	[dreg:$0x2] =	wrdreg s2  }
0xa9: {  	[dreg:$0x3] =	wrdreg s4  }
0xaa: {  	[dreg:$0x4] =	wrdreg $0xC0  }
0xab: {  	_ =	task [dreg:s6], $0x5FFFF  }
0xac: {  	[dreg:$0x1] =	wrdreg $0xFFFFFFFF  }
0xad: {  	[dreg:$0x0] =	wrdreg $0x60  }
0xae: {  	[dreg:$0x2] =	wrdreg s24  }
0xaf: {  	[dreg:$0x3] =	wrdreg $0xA8000  }
0xb0: {  	[dreg:$0x4] =	wrdreg $0x9  }
0xb1: {  	_ =	task.clear_ibuf [dreg:s6], $0x5FFFF;
	_ =	strace $0x90000046  }
0xb2: {  	s29 =	simm.s32 $0x9;
	_ =	strace $0x80000048  }
0xb3: {  	_ =	swait.ge [sflag:s29], $0x1  }
0xb4: {  	[sflag:s29] =	ssyncadd.s32 $0xFFFFFFFF  }
0xb5: {  	_ =	strace $0x90000048  }
0xb6: {  	_ =	sfence  }
0xb7: {  	s30 =	sld [smem:$0x0];
	_ =	sdelay $0x2  }
0xb8: {  	s31 =	sshll.u32 s1, $0xD;
	s1 =	sshrl.u32 s1, $0x2  }
0xb9: {  	s3 =	sand.u32 $0x4000, s31;
	s1 =	sadd.s32 s1, s30  }
0xba: {  	s0 =	sor.u32 s3, s0;
	s1 =	sshll.u32 s1, $0x11  }
0xbb: {  	s0 =	sor.u32 s1, s0  }
0xbc: {  	s0 =	sadd.s32 $0x8F2B, s0  }
0xbd: {  	[sflag:s0] =	ssyncadd.remote.s32 $0x1  }
0xbe: {  	_ =	sfence.sel $0xFFFF  }
0xbf: {  	[dreg:$0x0] =	wrdreg $0xFFFFFFFF;
	(pc) =	sbr.abs _section_cstart, $3  }
0xc0: {  	[dreg:$0x1] =	wrdreg $0xFFFFFFFF  }
0xc1: {  	_ =	task.clear_ibuf [dreg:s6], $0x2FFFF;
	_ =	strace $0x9FFFFFFF  }
0xc2: {  	(tm) =	ssettm $0x7FFFFFFF  }
0xc3: {  	_ =	shalt  }
tec
execute0_lowered:
.L_overlay_start_1:
0x0: {  	(tag) =	ssettag $0x1  }
0x1: {  	s0 =	srdreg.scid;
	s10 =	rddreg [dreg:$0x0]  }
0x2: {  	s2 =	rddreg [dreg:$0x1];
	s3 =	simm.s32 $0x0;
	s12 =	simm.s32 $0x34C00  }
0x3: {  	s13 =	simm.s32 $0x1;
	s14 =	simm.s32 $0x80;
	s15 =	simm.s32 $0x2800  }
0x4: {  	s6 =	sand.u32 $0x1, s0;
	s0 =	stileid.u32;
	[smem:$0x7FF] =	sst s3  }
0x5: {  	s1 =	sshll.u32 s6, $0x4;
	s5 =	smul.u32 $0x50000, s0;
	s7 =	ssub.s32 $0x2, s6  }
0x6: {  	p0 =	seq.s32 s6, $0x1;
	s11 =	smul.u32 $0x2800, s0;
	s16 =	sshll.u32 s0, $0x6  }
0x7: {  	s4 =	sor.u32 s0, s1;
	s1 =	rddreg [dreg:$0x2];
	_ =	strace $0x80000047  }
0x8: {  	s31 =	sshrl.u32 s7, $0x1;
	s12 =	simm.s32 @!p0 $0xCC00;
	s16 =	sor.u32 $0x1C01, s16  }
0x9: {  	s4 =	smul.u32 $0x500, s4;
	s7 =	ssub.s32 s7, s31;
	s12 =	sadd.s32 s12, s10  }
0xa: {  	s5 =	sshrl.u32 s5, $0x2;
	s6 =	smax.u32 s7, $0x1;
	s11 =	sadd.s32 s12, s11  }
0xb: {  	s12 =	simm.s32 $0x6800;
	s8 =	sadd.s32 s4, s10;
	s4 =	sadd.s32 s5, s2  }
0xc: {  	s5 =	sadd.s32 $0x2C00, s8;
	s7 =	sadd.s32 $0x4000, s4;
	s8 =	sadd.s32 $0x8000, s4  }
0xd: {  	v0 =	vimm.f32 $1.000000000e+00;
	v1 =	vimm.f32 $0.0e+00;
	s9 =	sadd.s32 $0xC000, s4;
	s10 =	sadd.s32 $0x10000, s4;
	s17 =	sshrl.u32 s4, $0x3  }
.LBB2_1:
0xe: {  	s18 =	simm.s32 $0x200;
	s19 =	simm.s32 $0x0  }
.LBB2_2:
0xf: {  	p0 =	sne.s32 s18, $0xFE00;
	[tilespmem:s19+$0x2800] =	vst v0;
	s20 =	smov.u32 s18;
	s18 =	sadd.s32 $0x200, s18  }
.Ltmp0:
0x10: {  	[tilespmem:s19+$0x6800] =	vst v1;
	(pc) =	sbr.rel @p0 .LBB2_2-.Ltmp0, $2  }
0x11: {  	_ =	sdelay $0x2  }
0x12: {  	s19 =	sshra.s32 s20, $0x2  }
0x13: {  	[tilespmem:s19+$0x2800] =	vst v0  }
0x14: {  	[tilespmem:s19+$0x6800] =	vst v1  }
0x15: {  	[spmem:s4] =	stream.linear.scatter [tilespmem:s12], [sflag:$0x1], $0x4000, $0x38;
	[tilespmem:$0xD000] =	vst v63  }
0x16: {  	_ =	swait.ge [sflag:s13], $0x4000  }
0x17: {  	[sflag:s13] =	ssyncset.done $0x0  }
0x18: {  	[sflag:s13] =	ssyncadd.s32 $0xFFFFC000  }
0x19: {  	[spmem:s7] =	stream.linear.scatter [tilespmem:s12], [sflag:$0x1], $0x4000, $0x38;
	[tilespmem:$0xD000] =	vst v63  }
0x1a: {  	_ =	swait.ge [sflag:s13], $0x4000  }
0x1b: {  	[sflag:s13] =	ssyncset.done $0x0  }
0x1c: {  	[sflag:s13] =	ssyncadd.s32 $0xFFFFC000  }
0x1d: {  	[spmem:s8] =	stream.linear.scatter [tilespmem:s12], [sflag:$0x1], $0x4000, $0x38;
	[tilespmem:$0xD000] =	vst v63  }
0x1e: {  	_ =	swait.ge [sflag:s13], $0x4000  }
0x1f: {  	[sflag:s13] =	ssyncset.done $0x0  }
0x20: {  	[sflag:s13] =	ssyncadd.s32 $0xFFFFC000  }
0x21: {  	[spmem:s9] =	stream.linear.scatter [tilespmem:s12], [sflag:$0x1], $0x4000, $0x38;
	[tilespmem:$0xD000] =	vst v63  }
0x22: {  	_ =	swait.ge [sflag:s13], $0x4000  }
0x23: {  	[sflag:s13] =	ssyncset.done $0x0  }
0x24: {  	[sflag:s13] =	ssyncadd.s32 $0xFFFFC000  }
0x25: {  	[spmem:s10] =	stream.linear.scatter [tilespmem:s12], [sflag:$0x1], $0x4000, $0x38;
	[tilespmem:$0xD000] =	vst v63  }
0x26: {  	_ =	swait.ge [sflag:s13], $0x4000  }
0x27: {  	[sflag:s13] =	ssyncset.done $0x0  }
0x28: {  	s18 =	simm.s32 $0x0;
	[sflag:s13] =	ssyncadd.s32 $0xFFFFC000  }
0x29: {  	[tilespmem:s18], [sflag:$0x1] =	stream.linear.gather [hbm4b:s5+s18], $0x2800, $0x38;
	[tilespmem:$0xD000] =	vst v63  }
0x2a: {  	_ =	swait.ge [sflag:s13], $0x2800  }
0x2b: {  	[sflag:s13] =	ssyncset.done $0x0  }
0x2c: {  	[sflag:s13] =	ssyncadd.s32 $0xFFFFD800  }
0x2d: {  	s31 =	simm.s32 $0x0;
	[bflag:$0x0] =	sbarrier.arrive $0xFFFF  }
0x2e: {  	[spmem:s2] =	stream.indirect.scatter.add.f32 [tilespmem:s15], [sflag:$0x1], $0x10, s31, s14, $0xb8;
	[tilespmem:$0xD000] =	vst v63  }
0x2f: {  	_ =	swait.ge [sflag:s13], $0x800  }
0x30: {  	s18 =	simm.s32 $0x200;
	[sflag:s13] =	ssyncset.done $0x0  }
.LBB2_4:
0x31: {  	s19 =	sshra.s32 s18, $0x2;
	[sflag:s13] =	ssyncadd.s32 $0xFFFFF800;
	p0 =	sne.s32 s18, $0x9E00  }
0x32: {  	[spmem:s2] =	stream.indirect.scatter.add.f32 [tilespmem:s15], [sflag:$0x1], $0x10, s19, s14, $0xb8;
	[tilespmem:$0xD000] =	vst v63  }
.Ltmp1:
0x33: {  	_ = 	snop;
	(pc) =	sbr.rel @p0 .LBB2_4-.Ltmp1, $4  }
0x34: {  	_ = 	snop  }
0x35: {  	s18 =	sadd.s32 $0x200, s18  }
0x36: {  	_ =	swait.ge [sflag:s13], $0x800  }
0x37: {  	[sflag:s13] =	ssyncset.done $0x0  }
0x38: {  	s3 =	sadd.s32 $0x1, s3  }
0x39: {  	[sflag:s13] =	ssyncadd.s32 $0xFFFFF800;
	p0 =	sne.s32 s3, s6  }
.Ltmp2:
0x3a: {  	[bflag:$0x0] =	sbarrier.arrive $0xFFFF;
	(pc) =	sbr.rel @p0 .LBB2_1-.Ltmp2, $4  }
0x3b: {  	[hbm:s11], [sflag:s16] =	dma.local [spmem:s17], $0x2800  }
0x3c: {  	_ =	swait.ge [sflag:s13], $0x2800  }
0x3d: {  	[sflag:s13] =	ssyncset.done $0x0  }
0x3e: {  	[sflag:s13] =	ssyncadd.s32 $0xFFFFD800  }
0x3f: {  	_ =	sfence.sel $0x180000  }
0x40: {  	[bflag:$0x0] =	sbarrier.arrive $0xFFFF  }
0x41: {  	p0 =	sne.s32 s0, $0x0;
	_ =	strace $0x90000047  }
0x42: {  	s0 =	sadd.s32 @!p0 $0x100000, s1;
	[bflag:$0x2] =	sbarrier.arrive $0xFFFF  }
0x43: {  	[sflag:s0] =	ssyncadd.tile.s32 @!p0 $0x1;
	_ =	shalt  }
.Lfunc_end2:
_tile_overlayer_lowered:
.L_overlay_start_2:
0x44: {  	(tag) =	ssettag $0x2  }
0x45: {  	s0 =	rddreg [dreg:$0x0];
	s2 =	stileid.u32  }
0x46: {  	s1 =	rddreg [dreg:$0x1];
	p0 =	sne.s32 s2, $0x0  }
0x47: {  	s3 =	rddreg [dreg:$0x2];
	[bflag:$0x3] =	sbarrier.arrive $0xFFFF;
	s2 =	simm.s32 @!p0 $0x1C01  }
0x48: {  	[timem:s3], [sflag:s2] =	dma.local @!p0 [hbm:s0], s1  }
0x49: {  	s0 =	simm.s32 @!p0 $0x1  }
0x4a: {  	_ =	swait.ge @!p0 [sflag:s0], s1  }
0x4b: {  	s1 =	ssub.s32 @!p0 $0x0, s1;
	[sflag:s0] =	ssyncset.done @!p0 $0x0  }
0x4c: {  	[sflag:s0] =	ssyncadd.s32 @!p0 s1  }
0x4d: {  	[bflag:$0x3] =	sbarrier.arrive $0xFFFF  }
0x4e: {  	_ =	shalt  }

</sc_bundles>
